<compile_context>
chip_gen: v7x
topology: tpu7x:2x2x1
jax: 0.10.2.dev20260603
libtpu: 0.0.44.dev20260713+nightly
codegen_flags: <defaults>
</compile_context>

<pallas_src>
import functools

import jax
import jax.numpy as jnp
from jax import lax
from jax.experimental import pallas as pl
from jax.experimental.pallas import tpu as pltpu
from jax.experimental.pallas import tpu_sc as plsc

V = 23236
D = 1728
BSZ = 64
SEQ = 512
NC = 2
NS = 16
NW = NC * NS
F_PER = D // NW
NPAIR = F_PER // 2
NBLK = BSZ // 2


@jax.jit
def _sc_lookup(ids, table_t):
    mesh = plsc.VectorSubcoreMesh(
        core_axis_name="c", subcore_axis_name="s", num_cores=NC, num_subcores=NS
    )

    @functools.partial(
        pl.kernel,
        out_type=jax.ShapeDtypeStruct((BSZ, D, SEQ), jnp.float32),
        mesh=mesh,
        scratch_types=[
            pltpu.VMEM((BSZ * SEQ,), jnp.int32),
            [pltpu.VMEM((2, V), jnp.float32) for _ in range(2)],
            [pltpu.VMEM((2, 2, SEQ), jnp.float32) for _ in range(2)],
            [pltpu.SemaphoreType.DMA for _ in range(2)],
            [pltpu.SemaphoreType.DMA for _ in range(2)],
        ],
        compiler_params=pltpu.CompilerParams(
            use_tc_tiling_on_sc=True, needs_layout_passes=False
        ),
    )
    def k(ids_hbm, table_hbm, out_hbm, ids_v, quads, obufs, rsem, osem):
        wid = lax.axis_index("s") * NC + lax.axis_index("c")
        f0 = wid * F_PER
        row0 = jnp.zeros((16,), jnp.int32)
        row1 = jnp.ones((16,), jnp.int32)
        pltpu.async_copy(table_hbm.at[pl.ds(f0, 2)], quads[0], rsem[0])
        pltpu.sync_copy(ids_hbm, ids_v)

        def process_pair(p, r):
            f = f0 + p * 2
            pltpu.make_async_copy(
                table_hbm.at[pl.ds(f0, 2)], quads[r], rsem[r]
            ).wait()

            @pl.when(p + 1 < NPAIR)
            def _():
                pltpu.async_copy(
                    table_hbm.at[pl.ds(f + 2, 2)], quads[1 - r], rsem[1 - r]
                )

            def blk(q, _):
                for sub in range(2):
                    bb = q * 2 + sub

                    @pl.when((p > 0) | (q > 0))
                    def _():
                        pltpu.make_async_copy(
                            obufs[sub],
                            out_hbm.at[pl.ds(0, 2), pl.ds(0, 2)],
                            osem[sub],
                        ).wait()

                    base = bb * (2 * SEQ)

                    @plsc.parallel_loop(0, 2 * SEQ // 16, unroll=8)
                    def _(u):
                        idx = ids_v[pl.ds(base + u * 16, 16)]
                        b_loc = u >> 5
                        s_off = (u & 31) * 16
                        obufs[sub][b_loc, 0, pl.ds(s_off, 16)] = (
                            plsc.load_gather(quads[r], [row0, idx])
                        )
                        obufs[sub][b_loc, 1, pl.ds(s_off, 16)] = (
                            plsc.load_gather(quads[r], [row1, idx])
                        )

                    pltpu.async_copy(
                        obufs[sub],
                        out_hbm.at[pl.ds(bb * 2, 2), pl.ds(f, 2)],
                        osem[sub],
                    )
                return _

            lax.fori_loop(0, NBLK // 2, blk, None)

        def pair2(i, _):
            process_pair(i * 2, 0)
            process_pair(i * 2 + 1, 1)
            return _

        lax.fori_loop(0, NPAIR // 2, pair2, None)
        process_pair(NPAIR - 1, 0)

        for sub in range(2):
            pltpu.make_async_copy(
                obufs[sub], out_hbm.at[pl.ds(0, 2), pl.ds(0, 2)], osem[sub]
            ).wait()

    return k(ids, table_t)


def kernel(input_ids, font_weights):
    ids = input_ids.reshape(-1).astype(jnp.int32)
    table_t = font_weights.T
    out_t = _sc_lookup(ids, table_t)
    return jnp.transpose(out_t, (0, 2, 1))

# --- scband reference (transcript-rebuilt; emitter-appended) ---
"""Pipeline reference for scband-glyph-embedding-79302276153657 (READ-ONLY COPY).

The authoritative reference and input builder live on the scoring server;
editing this copy changes nothing except your own understanding.
"""

import jax, jax.numpy as jnp
import numpy as np

CHAR_DIM = 23236
EMBED_DIM = 1728

def setup_inputs(seed: int = 0) -> dict:
    key = jax.random.key(seed)
    k_ids, k_tab = jax.random.split(key)
    input_ids = jax.random.randint(k_ids, (64, 512), 0, CHAR_DIM, dtype=jnp.int64 if jax.config.jax_enable_x64 else jnp.int32)
    font_weights = jax.random.normal(k_tab, (CHAR_DIM, EMBED_DIM), dtype=jnp.float32) * 0.02
    return {"input_ids": input_ids, "font_weights": font_weights}

def reference(input_ids, font_weights):
    # nn.Embedding forward == row gather from the weight table
    return jnp.take(font_weights, input_ids, axis=0)

if __name__ == "__main__":
    import jax
    _d = setup_inputs()
    print(jax.jit(kernel)(*tuple(_d.values())))

</pallas_src>

<mosaic_0001>
#map = affine_map<(d0, d1) -> (0)>
#map1 = affine_map<(d0, d1) -> (0, 0)>
#map2 = affine_map<(d0, d1) -> (0, 0, 0)>
module attributes {stable_mosaic.version = 14 : i64} {
  func.func @k(%arg0: i32, %arg1: i32, %arg2: memref<32768xi32, #tpu.memory_space<hbm>>, %arg3: memref<1728x23236xf32, #tpu.memory_space<hbm>>, %arg4: memref<64x1728x512xf32, #tpu.memory_space<hbm>>, %arg5: memref<32768xi32, #tpu.memory_space<vmem>>, %arg6: memref<2x23236xf32, #tpu.memory_space<vmem>>, %arg7: memref<2x23236xf32, #tpu.memory_space<vmem>>, %arg8: memref<2x2x512xf32, #tpu.memory_space<vmem>>, %arg9: memref<2x2x512xf32, #tpu.memory_space<vmem>>, %arg10: memref<!tpu.dma_semaphore, #tpu.memory_space<semaphore_mem>>, %arg11: memref<!tpu.dma_semaphore, #tpu.memory_space<semaphore_mem>>, %arg12: memref<!tpu.dma_semaphore, #tpu.memory_space<semaphore_mem>>, %arg13: memref<!tpu.dma_semaphore, #tpu.memory_space<semaphore_mem>>) attributes {dimension_semantics = [#tpu.dimension_semantics<core_parallel>, #tpu.dimension_semantics<subcore_parallel>], iteration_bounds = array<i64: 2, 16>, scalar_prefetch = 0 : i64, scratch_operands = 9 : i64, tpu.core_type = #tpu.core_type<sc_vector_subcore>, window_params = [{transform_indices = #map}, {transform_indices = #map1}, {transform_indices = #map2}]} {
    %mul3A = arith.constant 2 : i32
    %mul3A_0 = arith.muli %arg1, %mul3A : i32
    %add3A = arith.addi %mul3A_0, %arg0 : i32
    %mul3A_1 = arith.constant 54 : i32
    %mul3A_2 = arith.muli %add3A, %mul3A_1 : i32
    %broadcast_in_dim3A = arith.constant 0 : i32
    %broadcast_in_dim3A_3 = vector.broadcast %broadcast_in_dim3A : i32 to vector<16xi32>
    %broadcast_in_dim3A_4 = arith.constant 1 : i32
    %broadcast_in_dim3A_5 = vector.broadcast %broadcast_in_dim3A_4 : i32 to vector<16xi32>
    %dma_start3A = arith.constant 0 : i32
    %dma_start3A_6 = tpu.memref_slice %arg3[%mul3A_2, %dma_start3A] : memref<1728x23236xf32, #tpu.memory_space<hbm>> -> memref<2x23236xf32, #tpu.memory_space<hbm>>
    %dma_start3A_7 = arith.constant 0 : i32
    %dma_start3A_8 = tpu.memref_slice %arg3[%mul3A_2, %dma_start3A_7] : memref<1728x23236xf32, #tpu.memory_space<hbm>> -> memref<2x23236xf32, #tpu.memory_space<hbm>>
    tpu.enqueue_dma source(%dma_start3A_8 : memref<2x23236xf32, #tpu.memory_space<hbm>>) target(%arg6 : memref<2x23236xf32, #tpu.memory_space<vmem>>) target_semaphore(%arg10 : memref<!tpu.dma_semaphore, #tpu.memory_space<semaphore_mem>>)
    "tpu.region"() ({
      %run_scoped3A = tpu.sem_alloc : memref<!tpu.dma_semaphore, #tpu.memory_space<semaphore_mem>>
      tpu.enqueue_dma source(%arg2 : memref<32768xi32, #tpu.memory_space<hbm>>) target(%arg5 : memref<32768xi32, #tpu.memory_space<vmem>>) target_semaphore(%run_scoped3A : memref<!tpu.dma_semaphore, #tpu.memory_space<semaphore_mem>>)
      tpu.wait_dma2 semaphore(%run_scoped3A : memref<!tpu.dma_semaphore, #tpu.memory_space<semaphore_mem>>) src(%arg2 : memref<32768xi32, #tpu.memory_space<hbm>>) dst(%arg5 : memref<32768xi32, #tpu.memory_space<vmem>>)
      tpu.yield
    }) : () -> ()
    %scan3A = arith.constant 0 : i32
    %scan3A_9 = arith.constant 13 : i32
    %scan3A_10 = arith.addi %scan3A, %scan3A_9 : i32
    %scan3A_11 = arith.constant 1 : i32
    scf.for %scan3A_39 = %scan3A to %scan3A_10 step %scan3A_11  : i32 {
      %mul3A_40 = arith.constant 2 : i32
      %mul3A_41 = arith.muli %scan3A_39, %mul3A_40 : i32
      %mul3A_42 = arith.constant 2 : i32
      %mul3A_43 = arith.muli %mul3A_41, %mul3A_42 : i32
      %add3A_44 = arith.addi %mul3A_2, %mul3A_43 : i32
      %dma_wait3A_45 = arith.constant 0 : i32
      %dma_wait3A_46 = tpu.memref_slice %arg3[%mul3A_2, %dma_wait3A_45] : memref<1728x23236xf32, #tpu.memory_space<hbm>> -> memref<2x23236xf32, #tpu.memory_space<hbm>>
      %dma_wait3A_47 = arith.constant 0 : i32
      %dma_wait3A_48 = tpu.memref_slice %arg3[%mul3A_2, %dma_wait3A_47] : memref<1728x23236xf32, #tpu.memory_space<hbm>> -> memref<2x23236xf32, #tpu.memory_space<hbm>>
      tpu.wait_dma2 semaphore(%arg10 : memref<!tpu.dma_semaphore, #tpu.memory_space<semaphore_mem>>) src(%dma_wait3A_48 : memref<2x23236xf32, #tpu.memory_space<hbm>>) dst(%arg6 : memref<2x23236xf32, #tpu.memory_space<vmem>>)
      %add3A_49 = arith.constant 1 : i32
      %add3A_50 = arith.addi %mul3A_41, %add3A_49 : i32
      %lt3A = arith.constant 27 : i32
      %lt3A_51 = arith.cmpi slt, %add3A_50, %lt3A : i32
      %convert_element_type3A = arith.extui %lt3A_51 : i1 to i32
      %cond3A = arith.constant 0 : i32
      %cond3A_52 = arith.cmpi ne, %convert_element_type3A, %cond3A : i32
      scf.if %cond3A_52 {
        %add3A_81 = arith.constant 2 : i32
        %add3A_82 = arith.addi %add3A_44, %add3A_81 : i32
        %dma_start3A_83 = arith.constant 0 : i32
        %dma_start3A_84 = tpu.memref_slice %arg3[%add3A_82, %dma_start3A_83] : memref<1728x23236xf32, #tpu.memory_space<hbm>> -> memref<2x23236xf32, #tpu.memory_space<hbm>>
        %dma_start3A_85 = arith.constant 0 : i32
        %dma_start3A_86 = tpu.memref_slice %arg3[%add3A_82, %dma_start3A_85] : memref<1728x23236xf32, #tpu.memory_space<hbm>> -> memref<2x23236xf32, #tpu.memory_space<hbm>>
        tpu.enqueue_dma source(%dma_start3A_86 : memref<2x23236xf32, #tpu.memory_space<hbm>>) target(%arg7 : memref<2x23236xf32, #tpu.memory_space<vmem>>) target_semaphore(%arg11 : memref<!tpu.dma_semaphore, #tpu.memory_space<semaphore_mem>>)
      } else {
      }
      %scan3A_53 = arith.constant 0 : i32
      %scan3A_54 = arith.constant 16 : i32
      %scan3A_55 = arith.addi %scan3A_53, %scan3A_54 : i32
      %scan3A_56 = arith.constant 1 : i32
      scf.for %scan3A_81 = %scan3A_53 to %scan3A_55 step %scan3A_56  : i32 {
        %mul3A_82 = arith.constant 2 : i32
        %mul3A_83 = arith.muli %scan3A_81, %mul3A_82 : i32
        %add3A_84 = arith.constant 0 : i32
        %add3A_85 = arith.addi %mul3A_83, %add3A_84 : i32
        %gt3A = arith.constant 0 : i32
        %gt3A_86 = arith.cmpi sgt, %mul3A_41, %gt3A : i32
        %gt3A_87 = arith.constant 0 : i32
        %gt3A_88 = arith.cmpi sgt, %scan3A_81, %gt3A_87 : i32
        %or3A = arith.ori %gt3A_86, %gt3A_88 : i1
        %convert_element_type3A_89 = arith.extui %or3A : i1 to i32
        %cond3A_90 = arith.constant 0 : i32
        %cond3A_91 = arith.cmpi ne, %convert_element_type3A_89, %cond3A_90 : i32
        scf.if %cond3A_91 {
          %dma_wait3A_125 = arith.constant 0 : i32
          %dma_wait3A_126 = arith.constant 0 : i32
          %dma_wait3A_127 = arith.constant 0 : i32
          %dma_wait3A_128 = tpu.memref_slice %arg4[%dma_wait3A_125, %dma_wait3A_126, %dma_wait3A_127] : memref<64x1728x512xf32, #tpu.memory_space<hbm>> -> memref<2x2x512xf32, #tpu.memory_space<hbm>>
          %dma_wait3A_129 = arith.constant 0 : i32
          %dma_wait3A_130 = arith.constant 0 : i32
          %dma_wait3A_131 = arith.constant 0 : i32
          %dma_wait3A_132 = tpu.memref_slice %arg4[%dma_wait3A_129, %dma_wait3A_130, %dma_wait3A_131] : memref<64x1728x512xf32, #tpu.memory_space<hbm>> -> memref<2x2x512xf32, #tpu.memory_space<hbm>>
          tpu.wait_dma2 semaphore(%arg12 : memref<!tpu.dma_semaphore, #tpu.memory_space<semaphore_mem>>) src(%arg8 : memref<2x2x512xf32, #tpu.memory_space<vmem>>) dst(%dma_wait3A_132 : memref<2x2x512xf32, #tpu.memory_space<hbm>>)
        } else {
        }
        %mul3A_92 = arith.constant 1024 : i32
        %mul3A_93 = arith.muli %add3A_85, %mul3A_92 : i32
        %parallel_loop3A = arith.constant 0 : i32
        %parallel_loop3A_94 = arith.constant 64 : i32
        %parallel_loop3A_95 = arith.constant 1 : i32
        scf.for %parallel_loop3A_125 = %parallel_loop3A to %parallel_loop3A_94 step %parallel_loop3A_95  : i32 {
          %parallel_loop3A_126 = arith.constant 16 : i32
          %parallel_loop3A_127 = arith.muli %parallel_loop3A_125, %parallel_loop3A_126 : i32
          %parallel_loop3A_128 = arith.addi %mul3A_93, %parallel_loop3A_127 : i32
          %parallel_loop3A_129 = arith.index_cast %parallel_loop3A_128 : i32 to index
          %parallel_loop3A_130 = tpu.vector_load %arg5[%parallel_loop3A_129] {strides = array<i32>} : memref<32768xi32, #tpu.memory_space<vmem>>, vector<16xi32>,
          %parallel_loop3A_131 = arith.constant 5 : i32
          %parallel_loop3A_132 = arith.shrsi %parallel_loop3A_125, %parallel_loop3A_131 : i32
          %parallel_loop3A_133 = arith.constant 31 : i32
          %parallel_loop3A_134 = arith.andi %parallel_loop3A_125, %parallel_loop3A_133 : i32
          %parallel_loop3A_135 = arith.constant 16 : i32
          %parallel_loop3A_136 = arith.muli %parallel_loop3A_134, %parallel_loop3A_135 : i32
          %parallel_loop3A_137 = tpu.vector_load_idx %arg6[%broadcast_in_dim3A_3, %parallel_loop3A_130] : memref<2x23236xf32, #tpu.memory_space<vmem>>[vector<16xi32>, vector<16xi32>], vector<16xf32>,
          %parallel_loop3A_138 = arith.constant 0 : i32
          %parallel_loop3A_139 = arith.index_cast %parallel_loop3A_132 : i32 to index
          %parallel_loop3A_140 = arith.index_cast %parallel_loop3A_138 : i32 to index
          %parallel_loop3A_141 = arith.index_cast %parallel_loop3A_136 : i32 to index
          %parallel_loop3A_142 = tpu.vector_load %arg8[%parallel_loop3A_139, %parallel_loop3A_140, %parallel_loop3A_141] {strides = array<i32>} : memref<2x2x512xf32, #tpu.memory_space<vmem>>, vector<16xf32>,
          tpu.vector_store %arg8[%parallel_loop3A_139, %parallel_loop3A_140, %parallel_loop3A_141], %parallel_loop3A_137 {strides = array<i32>} : memref<2x2x512xf32, #tpu.memory_space<vmem>>, vector<16xf32>,
          %parallel_loop3A_143 = tpu.vector_load_idx %arg6[%broadcast_in_dim3A_5, %parallel_loop3A_130] : memref<2x23236xf32, #tpu.memory_space<vmem>>[vector<16xi32>, vector<16xi32>], vector<16xf32>,
          %parallel_loop3A_144 = arith.constant 1 : i32
          %parallel_loop3A_145 = arith.index_cast %parallel_loop3A_132 : i32 to index
          %parallel_loop3A_146 = arith.index_cast %parallel_loop3A_144 : i32 to index
          %parallel_loop3A_147 = arith.index_cast %parallel_loop3A_136 : i32 to index
          %parallel_loop3A_148 = tpu.vector_load %arg8[%parallel_loop3A_145, %parallel_loop3A_146, %parallel_loop3A_147] {strides = array<i32>} : memref<2x2x512xf32, #tpu.memory_space<vmem>>, vector<16xf32>,
          tpu.vector_store %arg8[%parallel_loop3A_145, %parallel_loop3A_146, %parallel_loop3A_147], %parallel_loop3A_143 {strides = array<i32>} : memref<2x2x512xf32, #tpu.memory_space<vmem>>, vector<16xf32>,
        } {sc.loop_unroll_factor = 8 : i64, sc.parallel_access}
        %mul3A_96 = arith.constant 2 : i32
        %mul3A_97 = arith.muli %add3A_85, %mul3A_96 : i32
        %dma_start3A_98 = arith.constant 0 : i32
        %dma_start3A_99 = tpu.memref_slice %arg4[%mul3A_97, %add3A_44, %dma_start3A_98] : memref<64x1728x512xf32, #tpu.memory_space<hbm>> -> memref<2x2x512xf32, #tpu.memory_space<hbm>>
        %dma_start3A_100 = arith.constant 0 : i32
        %dma_start3A_101 = tpu.memref_slice %arg4[%mul3A_97, %add3A_44, %dma_start3A_100] : memref<64x1728x512xf32, #tpu.memory_space<hbm>> -> memref<2x2x512xf32, #tpu.memory_space<hbm>>
        tpu.enqueue_dma source(%arg8 : memref<2x2x512xf32, #tpu.memory_space<vmem>>) target(%dma_start3A_101 : memref<2x2x512xf32, #tpu.memory_space<hbm>>) target_semaphore(%arg12 : memref<!tpu.dma_semaphore, #tpu.memory_space<semaphore_mem>>)
        %mul3A_102 = arith.constant 2 : i32
        %mul3A_103 = arith.muli %scan3A_81, %mul3A_102 : i32
        %add3A_104 = arith.constant 1 : i32
        %add3A_105 = arith.addi %mul3A_103, %add3A_104 : i32
        %gt3A_106 = arith.constant 0 : i32
        %gt3A_107 = arith.cmpi sgt, %mul3A_41, %gt3A_106 : i32
        %gt3A_108 = arith.constant 0 : i32
        %gt3A_109 = arith.cmpi sgt, %scan3A_81, %gt3A_108 : i32
        %or3A_110 = arith.ori %gt3A_107, %gt3A_109 : i1
        %convert_element_type3A_111 = arith.extui %or3A_110 : i1 to i32
        %cond3A_112 = arith.constant 0 : i32
        %cond3A_113 = arith.cmpi ne, %convert_element_type3A_111, %cond3A_112 : i32
        scf.if %cond3A_113 {
          %dma_wait3A_125 = arith.constant 0 : i32
          %dma_wait3A_126 = arith.constant 0 : i32
          %dma_wait3A_127 = arith.constant 0 : i32
          %dma_wait3A_128 = tpu.memref_slice %arg4[%dma_wait3A_125, %dma_wait3A_126, %dma_wait3A_127] : memref<64x1728x512xf32, #tpu.memory_space<hbm>> -> memref<2x2x512xf32, #tpu.memory_space<hbm>>
          %dma_wait3A_129 = arith.constant 0 : i32
          %dma_wait3A_130 = arith.constant 0 : i32
          %dma_wait3A_131 = arith.constant 0 : i32
          %dma_wait3A_132 = tpu.memref_slice %arg4[%dma_wait3A_129, %dma_wait3A_130, %dma_wait3A_131] : memref<64x1728x512xf32, #tpu.memory_space<hbm>> -> memref<2x2x512xf32, #tpu.memory_space<hbm>>
          tpu.wait_dma2 semaphore(%arg13 : memref<!tpu.dma_semaphore, #tpu.memory_space<semaphore_mem>>) src(%arg9 : memref<2x2x512xf32, #tpu.memory_space<vmem>>) dst(%dma_wait3A_132 : memref<2x2x512xf32, #tpu.memory_space<hbm>>)
        } else {
        }
        %mul3A_114 = arith.constant 1024 : i32
        %mul3A_115 = arith.muli %add3A_105, %mul3A_114 : i32
        %parallel_loop3A_116 = arith.constant 0 : i32
        %parallel_loop3A_117 = arith.constant 64 : i32
        %parallel_loop3A_118 = arith.constant 1 : i32
        scf.for %parallel_loop3A_125 = %parallel_loop3A_116 to %parallel_loop3A_117 step %parallel_loop3A_118  : i32 {
          %parallel_loop3A_126 = arith.constant 16 : i32
          %parallel_loop3A_127 = arith.muli %parallel_loop3A_125, %parallel_loop3A_126 : i32
          %parallel_loop3A_128 = arith.addi %mul3A_115, %parallel_loop3A_127 : i32
          %parallel_loop3A_129 = arith.index_cast %parallel_loop3A_128 : i32 to index
          %parallel_loop3A_130 = tpu.vector_load %arg5[%parallel_loop3A_129] {strides = array<i32>} : memref<32768xi32, #tpu.memory_space<vmem>>, vector<16xi32>,
          %parallel_loop3A_131 = arith.constant 5 : i32
          %parallel_loop3A_132 = arith.shrsi %parallel_loop3A_125, %parallel_loop3A_131 : i32
          %parallel_loop3A_133 = arith.constant 31 : i32
          %parallel_loop3A_134 = arith.andi %parallel_loop3A_125, %parallel_loop3A_133 : i32
          %parallel_loop3A_135 = arith.constant 16 : i32
          %parallel_loop3A_136 = arith.muli %parallel_loop3A_134, %parallel_loop3A_135 : i32
          %parallel_loop3A_137 = tpu.vector_load_idx %arg6[%broadcast_in_dim3A_3, %parallel_loop3A_130] : memref<2x23236xf32, #tpu.memory_space<vmem>>[vector<16xi32>, vector<16xi32>], vector<16xf32>,
          %parallel_loop3A_138 = arith.constant 0 : i32
          %parallel_loop3A_139 = arith.index_cast %parallel_loop3A_132 : i32 to index
          %parallel_loop3A_140 = arith.index_cast %parallel_loop3A_138 : i32 to index
          %parallel_loop3A_141 = arith.index_cast %parallel_loop3A_136 : i32 to index
          %parallel_loop3A_142 = tpu.vector_load %arg9[%parallel_loop3A_139, %parallel_loop3A_140, %parallel_loop3A_141] {strides = array<i32>} : memref<2x2x512xf32, #tpu.memory_space<vmem>>, vector<16xf32>,
          tpu.vector_store %arg9[%parallel_loop3A_139, %parallel_loop3A_140, %parallel_loop3A_141], %parallel_loop3A_137 {strides = array<i32>} : memref<2x2x512xf32, #tpu.memory_space<vmem>>, vector<16xf32>,
          %parallel_loop3A_143 = tpu.vector_load_idx %arg6[%broadcast_in_dim3A_5, %parallel_loop3A_130] : memref<2x23236xf32, #tpu.memory_space<vmem>>[vector<16xi32>, vector<16xi32>], vector<16xf32>,
          %parallel_loop3A_144 = arith.constant 1 : i32
          %parallel_loop3A_145 = arith.index_cast %parallel_loop3A_132 : i32 to index
          %parallel_loop3A_146 = arith.index_cast %parallel_loop3A_144 : i32 to index
          %parallel_loop3A_147 = arith.index_cast %parallel_loop3A_136 : i32 to index
          %parallel_loop3A_148 = tpu.vector_load %arg9[%parallel_loop3A_145, %parallel_loop3A_146, %parallel_loop3A_147] {strides = array<i32>} : memref<2x2x512xf32, #tpu.memory_space<vmem>>, vector<16xf32>,
          tpu.vector_store %arg9[%parallel_loop3A_145, %parallel_loop3A_146, %parallel_loop3A_147], %parallel_loop3A_143 {strides = array<i32>} : memref<2x2x512xf32, #tpu.memory_space<vmem>>, vector<16xf32>,
        } {sc.loop_unroll_factor = 8 : i64, sc.parallel_access}
        %mul3A_119 = arith.constant 2 : i32
        %mul3A_120 = arith.muli %add3A_105, %mul3A_119 : i32
        %dma_start3A_121 = arith.constant 0 : i32
        %dma_start3A_122 = tpu.memref_slice %arg4[%mul3A_120, %add3A_44, %dma_start3A_121] : memref<64x1728x512xf32, #tpu.memory_space<hbm>> -> memref<2x2x512xf32, #tpu.memory_space<hbm>>
        %dma_start3A_123 = arith.constant 0 : i32
        %dma_start3A_124 = tpu.memref_slice %arg4[%mul3A_120, %add3A_44, %dma_start3A_123] : memref<64x1728x512xf32, #tpu.memory_space<hbm>> -> memref<2x2x512xf32, #tpu.memory_space<hbm>>
        tpu.enqueue_dma source(%arg9 : memref<2x2x512xf32, #tpu.memory_space<vmem>>) target(%dma_start3A_124 : memref<2x2x512xf32, #tpu.memory_space<hbm>>) target_semaphore(%arg13 : memref<!tpu.dma_semaphore, #tpu.memory_space<semaphore_mem>>)
      }
      %scan3A_57 = arith.constant 16 : i32
      %mul3A_58 = arith.constant 2 : i32
      %mul3A_59 = arith.muli %scan3A_39, %mul3A_58 : i32
      %add3A_60 = arith.constant 1 : i32
      %add3A_61 = arith.addi %mul3A_59, %add3A_60 : i32
      %mul3A_62 = arith.constant 2 : i32
      %mul3A_63 = arith.muli %add3A_61, %mul3A_62 : i32
      %add3A_64 = arith.addi %mul3A_2, %mul3A_63 : i32
      %dma_wait3A_65 = arith.constant 0 : i32
      %dma_wait3A_66 = tpu.memref_slice %arg3[%mul3A_2, %dma_wait3A_65] : memref<1728x23236xf32, #tpu.memory_space<hbm>> -> memref<2x23236xf32, #tpu.memory_space<hbm>>
      %dma_wait3A_67 = arith.constant 0 : i32
      %dma_wait3A_68 = tpu.memref_slice %arg3[%mul3A_2, %dma_wait3A_67] : memref<1728x23236xf32, #tpu.memory_space<hbm>> -> memref<2x23236xf32, #tpu.memory_space<hbm>>
      tpu.wait_dma2 semaphore(%arg11 : memref<!tpu.dma_semaphore, #tpu.memory_space<semaphore_mem>>) src(%dma_wait3A_68 : memref<2x23236xf32, #tpu.memory_space<hbm>>) dst(%arg7 : memref<2x23236xf32, #tpu.memory_space<vmem>>)
      %add3A_69 = arith.constant 1 : i32
      %add3A_70 = arith.addi %add3A_61, %add3A_69 : i32
      %lt3A_71 = arith.constant 27 : i32
      %lt3A_72 = arith.cmpi slt, %add3A_70, %lt3A_71 : i32
      %convert_element_type3A_73 = arith.extui %lt3A_72 : i1 to i32
      %cond3A_74 = arith.constant 0 : i32
      %cond3A_75 = arith.cmpi ne, %convert_element_type3A_73, %cond3A_74 : i32
      scf.if %cond3A_75 {
        %add3A_81 = arith.constant 2 : i32
        %add3A_82 = arith.addi %add3A_64, %add3A_81 : i32
        %dma_start3A_83 = arith.constant 0 : i32
        %dma_start3A_84 = tpu.memref_slice %arg3[%add3A_82, %dma_start3A_83] : memref<1728x23236xf32, #tpu.memory_space<hbm>> -> memref<2x23236xf32, #tpu.memory_space<hbm>>
        %dma_start3A_85 = arith.constant 0 : i32
        %dma_start3A_86 = tpu.memref_slice %arg3[%add3A_82, %dma_start3A_85] : memref<1728x23236xf32, #tpu.memory_space<hbm>> -> memref<2x23236xf32, #tpu.memory_space<hbm>>
        tpu.enqueue_dma source(%dma_start3A_86 : memref<2x23236xf32, #tpu.memory_space<hbm>>) target(%arg6 : memref<2x23236xf32, #tpu.memory_space<vmem>>) target_semaphore(%arg10 : memref<!tpu.dma_semaphore, #tpu.memory_space<semaphore_mem>>)
      } else {
      }
      %scan3A_76 = arith.constant 0 : i32
      %scan3A_77 = arith.constant 16 : i32
      %scan3A_78 = arith.addi %scan3A_76, %scan3A_77 : i32
      %scan3A_79 = arith.constant 1 : i32
      scf.for %scan3A_81 = %scan3A_76 to %scan3A_78 step %scan3A_79  : i32 {
        %mul3A_82 = arith.constant 2 : i32
        %mul3A_83 = arith.muli %scan3A_81, %mul3A_82 : i32
        %add3A_84 = arith.constant 0 : i32
        %add3A_85 = arith.addi %mul3A_83, %add3A_84 : i32
        %gt3A = arith.constant 0 : i32
        %gt3A_86 = arith.cmpi sgt, %add3A_61, %gt3A : i32
        %gt3A_87 = arith.constant 0 : i32
        %gt3A_88 = arith.cmpi sgt, %scan3A_81, %gt3A_87 : i32
        %or3A = arith.ori %gt3A_86, %gt3A_88 : i1
        %convert_element_type3A_89 = arith.extui %or3A : i1 to i32
        %cond3A_90 = arith.constant 0 : i32
        %cond3A_91 = arith.cmpi ne, %convert_element_type3A_89, %cond3A_90 : i32
        scf.if %cond3A_91 {
          %dma_wait3A_125 = arith.constant 0 : i32
          %dma_wait3A_126 = arith.constant 0 : i32
          %dma_wait3A_127 = arith.constant 0 : i32
          %dma_wait3A_128 = tpu.memref_slice %arg4[%dma_wait3A_125, %dma_wait3A_126, %dma_wait3A_127] : memref<64x1728x512xf32, #tpu.memory_space<hbm>> -> memref<2x2x512xf32, #tpu.memory_space<hbm>>
          %dma_wait3A_129 = arith.constant 0 : i32
          %dma_wait3A_130 = arith.constant 0 : i32
          %dma_wait3A_131 = arith.constant 0 : i32
          %dma_wait3A_132 = tpu.memref_slice %arg4[%dma_wait3A_129, %dma_wait3A_130, %dma_wait3A_131] : memref<64x1728x512xf32, #tpu.memory_space<hbm>> -> memref<2x2x512xf32, #tpu.memory_space<hbm>>
          tpu.wait_dma2 semaphore(%arg12 : memref<!tpu.dma_semaphore, #tpu.memory_space<semaphore_mem>>) src(%arg8 : memref<2x2x512xf32, #tpu.memory_space<vmem>>) dst(%dma_wait3A_132 : memref<2x2x512xf32, #tpu.memory_space<hbm>>)
        } else {
        }
        %mul3A_92 = arith.constant 1024 : i32
        %mul3A_93 = arith.muli %add3A_85, %mul3A_92 : i32
        %parallel_loop3A = arith.constant 0 : i32
        %parallel_loop3A_94 = arith.constant 64 : i32
        %parallel_loop3A_95 = arith.constant 1 : i32
        scf.for %parallel_loop3A_125 = %parallel_loop3A to %parallel_loop3A_94 step %parallel_loop3A_95  : i32 {
          %parallel_loop3A_126 = arith.constant 16 : i32
          %parallel_loop3A_127 = arith.muli %parallel_loop3A_125, %parallel_loop3A_126 : i32
          %parallel_loop3A_128 = arith.addi %mul3A_93, %parallel_loop3A_127 : i32
          %parallel_loop3A_129 = arith.index_cast %parallel_loop3A_128 : i32 to index
          %parallel_loop3A_130 = tpu.vector_load %arg5[%parallel_loop3A_129] {strides = array<i32>} : memref<32768xi32, #tpu.memory_space<vmem>>, vector<16xi32>,
          %parallel_loop3A_131 = arith.constant 5 : i32
          %parallel_loop3A_132 = arith.shrsi %parallel_loop3A_125, %parallel_loop3A_131 : i32
          %parallel_loop3A_133 = arith.constant 31 : i32
          %parallel_loop3A_134 = arith.andi %parallel_loop3A_125, %parallel_loop3A_133 : i32
          %parallel_loop3A_135 = arith.constant 16 : i32
          %parallel_loop3A_136 = arith.muli %parallel_loop3A_134, %parallel_loop3A_135 : i32
          %parallel_loop3A_137 = tpu.vector_load_idx %arg7[%broadcast_in_dim3A_3, %parallel_loop3A_130] : memref<2x23236xf32, #tpu.memory_space<vmem>>[vector<16xi32>, vector<16xi32>], vector<16xf32>,
          %parallel_loop3A_138 = arith.constant 0 : i32
          %parallel_loop3A_139 = arith.index_cast %parallel_loop3A_132 : i32 to index
          %parallel_loop3A_140 = arith.index_cast %parallel_loop3A_138 : i32 to index
          %parallel_loop3A_141 = arith.index_cast %parallel_loop3A_136 : i32 to index
          %parallel_loop3A_142 = tpu.vector_load %arg8[%parallel_loop3A_139, %parallel_loop3A_140, %parallel_loop3A_141] {strides = array<i32>} : memref<2x2x512xf32, #tpu.memory_space<vmem>>, vector<16xf32>,
          tpu.vector_store %arg8[%parallel_loop3A_139, %parallel_loop3A_140, %parallel_loop3A_141], %parallel_loop3A_137 {strides = array<i32>} : memref<2x2x512xf32, #tpu.memory_space<vmem>>, vector<16xf32>,
          %parallel_loop3A_143 = tpu.vector_load_idx %arg7[%broadcast_in_dim3A_5, %parallel_loop3A_130] : memref<2x23236xf32, #tpu.memory_space<vmem>>[vector<16xi32>, vector<16xi32>], vector<16xf32>,
          %parallel_loop3A_144 = arith.constant 1 : i32
          %parallel_loop3A_145 = arith.index_cast %parallel_loop3A_132 : i32 to index
          %parallel_loop3A_146 = arith.index_cast %parallel_loop3A_144 : i32 to index
          %parallel_loop3A_147 = arith.index_cast %parallel_loop3A_136 : i32 to index
          %parallel_loop3A_148 = tpu.vector_load %arg8[%parallel_loop3A_145, %parallel_loop3A_146, %parallel_loop3A_147] {strides = array<i32>} : memref<2x2x512xf32, #tpu.memory_space<vmem>>, vector<16xf32>,
          tpu.vector_store %arg8[%parallel_loop3A_145, %parallel_loop3A_146, %parallel_loop3A_147], %parallel_loop3A_143 {strides = array<i32>} : memref<2x2x512xf32, #tpu.memory_space<vmem>>, vector<16xf32>,
        } {sc.loop_unroll_factor = 8 : i64, sc.parallel_access}
        %mul3A_96 = arith.constant 2 : i32
        %mul3A_97 = arith.muli %add3A_85, %mul3A_96 : i32
        %dma_start3A_98 = arith.constant 0 : i32
        %dma_start3A_99 = tpu.memref_slice %arg4[%mul3A_97, %add3A_64, %dma_start3A_98] : memref<64x1728x512xf32, #tpu.memory_space<hbm>> -> memref<2x2x512xf32, #tpu.memory_space<hbm>>
        %dma_start3A_100 = arith.constant 0 : i32
        %dma_start3A_101 = tpu.memref_slice %arg4[%mul3A_97, %add3A_64, %dma_start3A_100] : memref<64x1728x512xf32, #tpu.memory_space<hbm>> -> memref<2x2x512xf32, #tpu.memory_space<hbm>>
        tpu.enqueue_dma source(%arg8 : memref<2x2x512xf32, #tpu.memory_space<vmem>>) target(%dma_start3A_101 : memref<2x2x512xf32, #tpu.memory_space<hbm>>) target_semaphore(%arg12 : memref<!tpu.dma_semaphore, #tpu.memory_space<semaphore_mem>>)
        %mul3A_102 = arith.constant 2 : i32
        %mul3A_103 = arith.muli %scan3A_81, %mul3A_102 : i32
        %add3A_104 = arith.constant 1 : i32
        %add3A_105 = arith.addi %mul3A_103, %add3A_104 : i32
        %gt3A_106 = arith.constant 0 : i32
        %gt3A_107 = arith.cmpi sgt, %add3A_61, %gt3A_106 : i32
        %gt3A_108 = arith.constant 0 : i32
        %gt3A_109 = arith.cmpi sgt, %scan3A_81, %gt3A_108 : i32
        %or3A_110 = arith.ori %gt3A_107, %gt3A_109 : i1
        %convert_element_type3A_111 = arith.extui %or3A_110 : i1 to i32
        %cond3A_112 = arith.constant 0 : i32
        %cond3A_113 = arith.cmpi ne, %convert_element_type3A_111, %cond3A_112 : i32
        scf.if %cond3A_113 {
          %dma_wait3A_125 = arith.constant 0 : i32
          %dma_wait3A_126 = arith.constant 0 : i32
          %dma_wait3A_127 = arith.constant 0 : i32
          %dma_wait3A_128 = tpu.memref_slice %arg4[%dma_wait3A_125, %dma_wait3A_126, %dma_wait3A_127] : memref<64x1728x512xf32, #tpu.memory_space<hbm>> -> memref<2x2x512xf32, #tpu.memory_space<hbm>>
          %dma_wait3A_129 = arith.constant 0 : i32
          %dma_wait3A_130 = arith.constant 0 : i32
          %dma_wait3A_131 = arith.constant 0 : i32
          %dma_wait3A_132 = tpu.memref_slice %arg4[%dma_wait3A_129, %dma_wait3A_130, %dma_wait3A_131] : memref<64x1728x512xf32, #tpu.memory_space<hbm>> -> memref<2x2x512xf32, #tpu.memory_space<hbm>>
          tpu.wait_dma2 semaphore(%arg13 : memref<!tpu.dma_semaphore, #tpu.memory_space<semaphore_mem>>) src(%arg9 : memref<2x2x512xf32, #tpu.memory_space<vmem>>) dst(%dma_wait3A_132 : memref<2x2x512xf32, #tpu.memory_space<hbm>>)
        } else {
        }
        %mul3A_114 = arith.constant 1024 : i32
        %mul3A_115 = arith.muli %add3A_105, %mul3A_114 : i32
        %parallel_loop3A_116 = arith.constant 0 : i32
        %parallel_loop3A_117 = arith.constant 64 : i32
        %parallel_loop3A_118 = arith.constant 1 : i32
        scf.for %parallel_loop3A_125 = %parallel_loop3A_116 to %parallel_loop3A_117 step %parallel_loop3A_118  : i32 {
          %parallel_loop3A_126 = arith.constant 16 : i32
          %parallel_loop3A_127 = arith.muli %parallel_loop3A_125, %parallel_loop3A_126 : i32
          %parallel_loop3A_128 = arith.addi %mul3A_115, %parallel_loop3A_127 : i32
          %parallel_loop3A_129 = arith.index_cast %parallel_loop3A_128 : i32 to index
          %parallel_loop3A_130 = tpu.vector_load %arg5[%parallel_loop3A_129] {strides = array<i32>} : memref<32768xi32, #tpu.memory_space<vmem>>, vector<16xi32>,
          %parallel_loop3A_131 = arith.constant 5 : i32
          %parallel_loop3A_132 = arith.shrsi %parallel_loop3A_125, %parallel_loop3A_131 : i32
          %parallel_loop3A_133 = arith.constant 31 : i32
          %parallel_loop3A_134 = arith.andi %parallel_loop3A_125, %parallel_loop3A_133 : i32
          %parallel_loop3A_135 = arith.constant 16 : i32
          %parallel_loop3A_136 = arith.muli %parallel_loop3A_134, %parallel_loop3A_135 : i32
          %parallel_loop3A_137 = tpu.vector_load_idx %arg7[%broadcast_in_dim3A_3, %parallel_loop3A_130] : memref<2x23236xf32, #tpu.memory_space<vmem>>[vector<16xi32>, vector<16xi32>], vector<16xf32>,
          %parallel_loop3A_138 = arith.constant 0 : i32
          %parallel_loop3A_139 = arith.index_cast %parallel_loop3A_132 : i32 to index
          %parallel_loop3A_140 = arith.index_cast %parallel_loop3A_138 : i32 to index
          %parallel_loop3A_141 = arith.index_cast %parallel_loop3A_136 : i32 to index
          %parallel_loop3A_142 = tpu.vector_load %arg9[%parallel_loop3A_139, %parallel_loop3A_140, %parallel_loop3A_141] {strides = array<i32>} : memref<2x2x512xf32, #tpu.memory_space<vmem>>, vector<16xf32>,
          tpu.vector_store %arg9[%parallel_loop3A_139, %parallel_loop3A_140, %parallel_loop3A_141], %parallel_loop3A_137 {strides = array<i32>} : memref<2x2x512xf32, #tpu.memory_space<vmem>>, vector<16xf32>,
          %parallel_loop3A_143 = tpu.vector_load_idx %arg7[%broadcast_in_dim3A_5, %parallel_loop3A_130] : memref<2x23236xf32, #tpu.memory_space<vmem>>[vector<16xi32>, vector<16xi32>], vector<16xf32>,
          %parallel_loop3A_144 = arith.constant 1 : i32
          %parallel_loop3A_145 = arith.index_cast %parallel_loop3A_132 : i32 to index
          %parallel_loop3A_146 = arith.index_cast %parallel_loop3A_144 : i32 to index
          %parallel_loop3A_147 = arith.index_cast %parallel_loop3A_136 : i32 to index
          %parallel_loop3A_148 = tpu.vector_load %arg9[%parallel_loop3A_145, %parallel_loop3A_146, %parallel_loop3A_147] {strides = array<i32>} : memref<2x2x512xf32, #tpu.memory_space<vmem>>, vector<16xf32>,
          tpu.vector_store %arg9[%parallel_loop3A_145, %parallel_loop3A_146, %parallel_loop3A_147], %parallel_loop3A_143 {strides = array<i32>} : memref<2x2x512xf32, #tpu.memory_space<vmem>>, vector<16xf32>,
        } {sc.loop_unroll_factor = 8 : i64, sc.parallel_access}
        %mul3A_119 = arith.constant 2 : i32
        %mul3A_120 = arith.muli %add3A_105, %mul3A_119 : i32
        %dma_start3A_121 = arith.constant 0 : i32
        %dma_start3A_122 = tpu.memref_slice %arg4[%mul3A_120, %add3A_64, %dma_start3A_121] : memref<64x1728x512xf32, #tpu.memory_space<hbm>> -> memref<2x2x512xf32, #tpu.memory_space<hbm>>
        %dma_start3A_123 = arith.constant 0 : i32
        %dma_start3A_124 = tpu.memref_slice %arg4[%mul3A_120, %add3A_64, %dma_start3A_123] : memref<64x1728x512xf32, #tpu.memory_space<hbm>> -> memref<2x2x512xf32, #tpu.memory_space<hbm>>
        tpu.enqueue_dma source(%arg9 : memref<2x2x512xf32, #tpu.memory_space<vmem>>) target(%dma_start3A_124 : memref<2x2x512xf32, #tpu.memory_space<hbm>>) target_semaphore(%arg13 : memref<!tpu.dma_semaphore, #tpu.memory_space<semaphore_mem>>)
      }
      %scan3A_80 = arith.constant 16 : i32
    }
    %scan3A_12 = arith.constant 13 : i32
    %add3A_13 = arith.constant 52 : i32
    %add3A_14 = arith.addi %mul3A_2, %add3A_13 : i32
    %dma_wait3A = arith.constant 0 : i32
    %dma_wait3A_15 = tpu.memref_slice %arg3[%mul3A_2, %dma_wait3A] : memref<1728x23236xf32, #tpu.memory_space<hbm>> -> memref<2x23236xf32, #tpu.memory_space<hbm>>
    %dma_wait3A_16 = arith.constant 0 : i32
    %dma_wait3A_17 = tpu.memref_slice %arg3[%mul3A_2, %dma_wait3A_16] : memref<1728x23236xf32, #tpu.memory_space<hbm>> -> memref<2x23236xf32, #tpu.memory_space<hbm>>
    tpu.wait_dma2 semaphore(%arg10 : memref<!tpu.dma_semaphore, #tpu.memory_space<semaphore_mem>>) src(%dma_wait3A_17 : memref<2x23236xf32, #tpu.memory_space<hbm>>) dst(%arg6 : memref<2x23236xf32, #tpu.memory_space<vmem>>)
    %scan3A_18 = arith.constant 0 : i32
    %scan3A_19 = arith.constant 16 : i32
    %scan3A_20 = arith.addi %scan3A_18, %scan3A_19 : i32
    %scan3A_21 = arith.constant 1 : i32
    scf.for %scan3A_39 = %scan3A_18 to %scan3A_20 step %scan3A_21  : i32 {
      %mul3A_40 = arith.constant 2 : i32
      %mul3A_41 = arith.muli %scan3A_39, %mul3A_40 : i32
      %add3A_42 = arith.constant 0 : i32
      %add3A_43 = arith.addi %mul3A_41, %add3A_42 : i32
      %gt3A = arith.constant 0 : i32
      %gt3A_44 = arith.cmpi sgt, %scan3A_39, %gt3A : i32
      %or3A = arith.constant true
      %or3A_45 = arith.ori %or3A, %gt3A_44 : i1
      %convert_element_type3A = arith.extui %or3A_45 : i1 to i32
      %cond3A = arith.constant 0 : i32
      %cond3A_46 = arith.cmpi ne, %convert_element_type3A, %cond3A : i32
      scf.if %cond3A_46 {
        %dma_wait3A_79 = arith.constant 0 : i32
        %dma_wait3A_80 = arith.constant 0 : i32
        %dma_wait3A_81 = arith.constant 0 : i32
        %dma_wait3A_82 = tpu.memref_slice %arg4[%dma_wait3A_79, %dma_wait3A_80, %dma_wait3A_81] : memref<64x1728x512xf32, #tpu.memory_space<hbm>> -> memref<2x2x512xf32, #tpu.memory_space<hbm>>
        %dma_wait3A_83 = arith.constant 0 : i32
        %dma_wait3A_84 = arith.constant 0 : i32
        %dma_wait3A_85 = arith.constant 0 : i32
        %dma_wait3A_86 = tpu.memref_slice %arg4[%dma_wait3A_83, %dma_wait3A_84, %dma_wait3A_85] : memref<64x1728x512xf32, #tpu.memory_space<hbm>> -> memref<2x2x512xf32, #tpu.memory_space<hbm>>
        tpu.wait_dma2 semaphore(%arg12 : memref<!tpu.dma_semaphore, #tpu.memory_space<semaphore_mem>>) src(%arg8 : memref<2x2x512xf32, #tpu.memory_space<vmem>>) dst(%dma_wait3A_86 : memref<2x2x512xf32, #tpu.memory_space<hbm>>)
      } else {
      }
      %mul3A_47 = arith.constant 1024 : i32
      %mul3A_48 = arith.muli %add3A_43, %mul3A_47 : i32
      %parallel_loop3A = arith.constant 0 : i32
      %parallel_loop3A_49 = arith.constant 64 : i32
      %parallel_loop3A_50 = arith.constant 1 : i32
      scf.for %parallel_loop3A_79 = %parallel_loop3A to %parallel_loop3A_49 step %parallel_loop3A_50  : i32 {
        %parallel_loop3A_80 = arith.constant 16 : i32
        %parallel_loop3A_81 = arith.muli %parallel_loop3A_79, %parallel_loop3A_80 : i32
        %parallel_loop3A_82 = arith.addi %mul3A_48, %parallel_loop3A_81 : i32
        %parallel_loop3A_83 = arith.index_cast %parallel_loop3A_82 : i32 to index
        %parallel_loop3A_84 = tpu.vector_load %arg5[%parallel_loop3A_83] {strides = array<i32>} : memref<32768xi32, #tpu.memory_space<vmem>>, vector<16xi32>,
        %parallel_loop3A_85 = arith.constant 5 : i32
        %parallel_loop3A_86 = arith.shrsi %parallel_loop3A_79, %parallel_loop3A_85 : i32
        %parallel_loop3A_87 = arith.constant 31 : i32
        %parallel_loop3A_88 = arith.andi %parallel_loop3A_79, %parallel_loop3A_87 : i32
        %parallel_loop3A_89 = arith.constant 16 : i32
        %parallel_loop3A_90 = arith.muli %parallel_loop3A_88, %parallel_loop3A_89 : i32
        %parallel_loop3A_91 = tpu.vector_load_idx %arg6[%broadcast_in_dim3A_3, %parallel_loop3A_84] : memref<2x23236xf32, #tpu.memory_space<vmem>>[vector<16xi32>, vector<16xi32>], vector<16xf32>,
        %parallel_loop3A_92 = arith.constant 0 : i32
        %parallel_loop3A_93 = arith.index_cast %parallel_loop3A_86 : i32 to index
        %parallel_loop3A_94 = arith.index_cast %parallel_loop3A_92 : i32 to index
        %parallel_loop3A_95 = arith.index_cast %parallel_loop3A_90 : i32 to index
        %parallel_loop3A_96 = tpu.vector_load %arg8[%parallel_loop3A_93, %parallel_loop3A_94, %parallel_loop3A_95] {strides = array<i32>} : memref<2x2x512xf32, #tpu.memory_space<vmem>>, vector<16xf32>,
        tpu.vector_store %arg8[%parallel_loop3A_93, %parallel_loop3A_94, %parallel_loop3A_95], %parallel_loop3A_91 {strides = array<i32>} : memref<2x2x512xf32, #tpu.memory_space<vmem>>, vector<16xf32>,
        %parallel_loop3A_97 = tpu.vector_load_idx %arg6[%broadcast_in_dim3A_5, %parallel_loop3A_84] : memref<2x23236xf32, #tpu.memory_space<vmem>>[vector<16xi32>, vector<16xi32>], vector<16xf32>,
        %parallel_loop3A_98 = arith.constant 1 : i32
        %parallel_loop3A_99 = arith.index_cast %parallel_loop3A_86 : i32 to index
        %parallel_loop3A_100 = arith.index_cast %parallel_loop3A_98 : i32 to index
        %parallel_loop3A_101 = arith.index_cast %parallel_loop3A_90 : i32 to index
        %parallel_loop3A_102 = tpu.vector_load %arg8[%parallel_loop3A_99, %parallel_loop3A_100, %parallel_loop3A_101] {strides = array<i32>} : memref<2x2x512xf32, #tpu.memory_space<vmem>>, vector<16xf32>,
        tpu.vector_store %arg8[%parallel_loop3A_99, %parallel_loop3A_100, %parallel_loop3A_101], %parallel_loop3A_97 {strides = array<i32>} : memref<2x2x512xf32, #tpu.memory_space<vmem>>, vector<16xf32>,
      } {sc.loop_unroll_factor = 8 : i64, sc.parallel_access}
      %mul3A_51 = arith.constant 2 : i32
      %mul3A_52 = arith.muli %add3A_43, %mul3A_51 : i32
      %dma_start3A_53 = arith.constant 0 : i32
      %dma_start3A_54 = tpu.memref_slice %arg4[%mul3A_52, %add3A_14, %dma_start3A_53] : memref<64x1728x512xf32, #tpu.memory_space<hbm>> -> memref<2x2x512xf32, #tpu.memory_space<hbm>>
      %dma_start3A_55 = arith.constant 0 : i32
      %dma_start3A_56 = tpu.memref_slice %arg4[%mul3A_52, %add3A_14, %dma_start3A_55] : memref<64x1728x512xf32, #tpu.memory_space<hbm>> -> memref<2x2x512xf32, #tpu.memory_space<hbm>>
      tpu.enqueue_dma source(%arg8 : memref<2x2x512xf32, #tpu.memory_space<vmem>>) target(%dma_start3A_56 : memref<2x2x512xf32, #tpu.memory_space<hbm>>) target_semaphore(%arg12 : memref<!tpu.dma_semaphore, #tpu.memory_space<semaphore_mem>>)
      %mul3A_57 = arith.constant 2 : i32
      %mul3A_58 = arith.muli %scan3A_39, %mul3A_57 : i32
      %add3A_59 = arith.constant 1 : i32
      %add3A_60 = arith.addi %mul3A_58, %add3A_59 : i32
      %gt3A_61 = arith.constant 0 : i32
      %gt3A_62 = arith.cmpi sgt, %scan3A_39, %gt3A_61 : i32
      %or3A_63 = arith.constant true
      %or3A_64 = arith.ori %or3A_63, %gt3A_62 : i1
      %convert_element_type3A_65 = arith.extui %or3A_64 : i1 to i32
      %cond3A_66 = arith.constant 0 : i32
      %cond3A_67 = arith.cmpi ne, %convert_element_type3A_65, %cond3A_66 : i32
      scf.if %cond3A_67 {
        %dma_wait3A_79 = arith.constant 0 : i32
        %dma_wait3A_80 = arith.constant 0 : i32
        %dma_wait3A_81 = arith.constant 0 : i32
        %dma_wait3A_82 = tpu.memref_slice %arg4[%dma_wait3A_79, %dma_wait3A_80, %dma_wait3A_81] : memref<64x1728x512xf32, #tpu.memory_space<hbm>> -> memref<2x2x512xf32, #tpu.memory_space<hbm>>
        %dma_wait3A_83 = arith.constant 0 : i32
        %dma_wait3A_84 = arith.constant 0 : i32
        %dma_wait3A_85 = arith.constant 0 : i32
        %dma_wait3A_86 = tpu.memref_slice %arg4[%dma_wait3A_83, %dma_wait3A_84, %dma_wait3A_85] : memref<64x1728x512xf32, #tpu.memory_space<hbm>> -> memref<2x2x512xf32, #tpu.memory_space<hbm>>
        tpu.wait_dma2 semaphore(%arg13 : memref<!tpu.dma_semaphore, #tpu.memory_space<semaphore_mem>>) src(%arg9 : memref<2x2x512xf32, #tpu.memory_space<vmem>>) dst(%dma_wait3A_86 : memref<2x2x512xf32, #tpu.memory_space<hbm>>)
      } else {
      }
      %mul3A_68 = arith.constant 1024 : i32
      %mul3A_69 = arith.muli %add3A_60, %mul3A_68 : i32
      %parallel_loop3A_70 = arith.constant 0 : i32
      %parallel_loop3A_71 = arith.constant 64 : i32
      %parallel_loop3A_72 = arith.constant 1 : i32
      scf.for %parallel_loop3A_79 = %parallel_loop3A_70 to %parallel_loop3A_71 step %parallel_loop3A_72  : i32 {
        %parallel_loop3A_80 = arith.constant 16 : i32
        %parallel_loop3A_81 = arith.muli %parallel_loop3A_79, %parallel_loop3A_80 : i32
        %parallel_loop3A_82 = arith.addi %mul3A_69, %parallel_loop3A_81 : i32
        %parallel_loop3A_83 = arith.index_cast %parallel_loop3A_82 : i32 to index
        %parallel_loop3A_84 = tpu.vector_load %arg5[%parallel_loop3A_83] {strides = array<i32>} : memref<32768xi32, #tpu.memory_space<vmem>>, vector<16xi32>,
        %parallel_loop3A_85 = arith.constant 5 : i32
        %parallel_loop3A_86 = arith.shrsi %parallel_loop3A_79, %parallel_loop3A_85 : i32
        %parallel_loop3A_87 = arith.constant 31 : i32
        %parallel_loop3A_88 = arith.andi %parallel_loop3A_79, %parallel_loop3A_87 : i32
        %parallel_loop3A_89 = arith.constant 16 : i32
        %parallel_loop3A_90 = arith.muli %parallel_loop3A_88, %parallel_loop3A_89 : i32
        %parallel_loop3A_91 = tpu.vector_load_idx %arg6[%broadcast_in_dim3A_3, %parallel_loop3A_84] : memref<2x23236xf32, #tpu.memory_space<vmem>>[vector<16xi32>, vector<16xi32>], vector<16xf32>,
        %parallel_loop3A_92 = arith.constant 0 : i32
        %parallel_loop3A_93 = arith.index_cast %parallel_loop3A_86 : i32 to index
        %parallel_loop3A_94 = arith.index_cast %parallel_loop3A_92 : i32 to index
        %parallel_loop3A_95 = arith.index_cast %parallel_loop3A_90 : i32 to index
        %parallel_loop3A_96 = tpu.vector_load %arg9[%parallel_loop3A_93, %parallel_loop3A_94, %parallel_loop3A_95] {strides = array<i32>} : memref<2x2x512xf32, #tpu.memory_space<vmem>>, vector<16xf32>,
        tpu.vector_store %arg9[%parallel_loop3A_93, %parallel_loop3A_94, %parallel_loop3A_95], %parallel_loop3A_91 {strides = array<i32>} : memref<2x2x512xf32, #tpu.memory_space<vmem>>, vector<16xf32>,
        %parallel_loop3A_97 = tpu.vector_load_idx %arg6[%broadcast_in_dim3A_5, %parallel_loop3A_84] : memref<2x23236xf32, #tpu.memory_space<vmem>>[vector<16xi32>, vector<16xi32>], vector<16xf32>,
        %parallel_loop3A_98 = arith.constant 1 : i32
        %parallel_loop3A_99 = arith.index_cast %parallel_loop3A_86 : i32 to index
        %parallel_loop3A_100 = arith.index_cast %parallel_loop3A_98 : i32 to index
        %parallel_loop3A_101 = arith.index_cast %parallel_loop3A_90 : i32 to index
        %parallel_loop3A_102 = tpu.vector_load %arg9[%parallel_loop3A_99, %parallel_loop3A_100, %parallel_loop3A_101] {strides = array<i32>} : memref<2x2x512xf32, #tpu.memory_space<vmem>>, vector<16xf32>,
        tpu.vector_store %arg9[%parallel_loop3A_99, %parallel_loop3A_100, %parallel_loop3A_101], %parallel_loop3A_97 {strides = array<i32>} : memref<2x2x512xf32, #tpu.memory_space<vmem>>, vector<16xf32>,
      } {sc.loop_unroll_factor = 8 : i64, sc.parallel_access}
      %mul3A_73 = arith.constant 2 : i32
      %mul3A_74 = arith.muli %add3A_60, %mul3A_73 : i32
      %dma_start3A_75 = arith.constant 0 : i32
      %dma_start3A_76 = tpu.memref_slice %arg4[%mul3A_74, %add3A_14, %dma_start3A_75] : memref<64x1728x512xf32, #tpu.memory_space<hbm>> -> memref<2x2x512xf32, #tpu.memory_space<hbm>>
      %dma_start3A_77 = arith.constant 0 : i32
      %dma_start3A_78 = tpu.memref_slice %arg4[%mul3A_74, %add3A_14, %dma_start3A_77] : memref<64x1728x512xf32, #tpu.memory_space<hbm>> -> memref<2x2x512xf32, #tpu.memory_space<hbm>>
      tpu.enqueue_dma source(%arg9 : memref<2x2x512xf32, #tpu.memory_space<vmem>>) target(%dma_start3A_78 : memref<2x2x512xf32, #tpu.memory_space<hbm>>) target_semaphore(%arg13 : memref<!tpu.dma_semaphore, #tpu.memory_space<semaphore_mem>>)
    }
    %scan3A_22 = arith.constant 16 : i32
    %dma_wait3A_23 = arith.constant 0 : i32
    %dma_wait3A_24 = arith.constant 0 : i32
    %dma_wait3A_25 = arith.constant 0 : i32
    %dma_wait3A_26 = tpu.memref_slice %arg4[%dma_wait3A_23, %dma_wait3A_24, %dma_wait3A_25] : memref<64x1728x512xf32, #tpu.memory_space<hbm>> -> memref<2x2x512xf32, #tpu.memory_space<hbm>>
    %dma_wait3A_27 = arith.constant 0 : i32
    %dma_wait3A_28 = arith.constant 0 : i32
    %dma_wait3A_29 = arith.constant 0 : i32
    %dma_wait3A_30 = tpu.memref_slice %arg4[%dma_wait3A_27, %dma_wait3A_28, %dma_wait3A_29] : memref<64x1728x512xf32, #tpu.memory_space<hbm>> -> memref<2x2x512xf32, #tpu.memory_space<hbm>>
    tpu.wait_dma2 semaphore(%arg12 : memref<!tpu.dma_semaphore, #tpu.memory_space<semaphore_mem>>) src(%arg8 : memref<2x2x512xf32, #tpu.memory_space<vmem>>) dst(%dma_wait3A_30 : memref<2x2x512xf32, #tpu.memory_space<hbm>>)
    %dma_wait3A_31 = arith.constant 0 : i32
    %dma_wait3A_32 = arith.constant 0 : i32
    %dma_wait3A_33 = arith.constant 0 : i32
    %dma_wait3A_34 = tpu.memref_slice %arg4[%dma_wait3A_31, %dma_wait3A_32, %dma_wait3A_33] : memref<64x1728x512xf32, #tpu.memory_space<hbm>> -> memref<2x2x512xf32, #tpu.memory_space<hbm>>
    %dma_wait3A_35 = arith.constant 0 : i32
    %dma_wait3A_36 = arith.constant 0 : i32
    %dma_wait3A_37 = arith.constant 0 : i32
    %dma_wait3A_38 = tpu.memref_slice %arg4[%dma_wait3A_35, %dma_wait3A_36, %dma_wait3A_37] : memref<64x1728x512xf32, #tpu.memory_space<hbm>> -> memref<2x2x512xf32, #tpu.memory_space<hbm>>
    tpu.wait_dma2 semaphore(%arg13 : memref<!tpu.dma_semaphore, #tpu.memory_space<semaphore_mem>>) src(%arg9 : memref<2x2x512xf32, #tpu.memory_space<vmem>>) dst(%dma_wait3A_38 : memref<2x2x512xf32, #tpu.memory_space<hbm>>)
    return
  }
}

</mosaic_0001>

<sc_bundles>
// kernel: _sc_lookup.3.cloned.1.call-start
scs
__scs_entry_jumppad:
0x0: {  	(pc) =	sbr.rel $0x88, $3  }
0x1: {  	(tag) =	ssettag $0x0;
	lr =	simm.s32 $0x1  }
0x2: {  	[smem:$0x3F9F] =	sst lr;
	_ =	strace $0xD0000000  }
0x3: {  	_ = 	snop  }
0x4: {  	_ = 	snop  }
0x5: {  	_ = 	snop  }
0x6: {  	_ = 	snop  }
0x7: {  	_ = 	snop  }
__scs_overlays_trampoline_lowered:
0x8: {  	[smem:$0x3FAE] =	sst s0  }
0x9: {  	[smem:$0x3FAF] =	sst s1  }
0xa: {  	[smem:$0x3FB0] =	sst s2  }
0xb: {  	[smem:$0x3FB1] =	sst s3  }
0xc: {  	[smem:$0x3FB2] =	sst s4  }
0xd: {  	[smem:$0x3FB3] =	sst s5  }
0xe: {  	[smem:$0x3FB4] =	sst s6  }
0xf: {  	[smem:$0x3FB5] =	sst s7  }
0x10: {  	[smem:$0x3FB6] =	sst s8  }
0x11: {  	[smem:$0x3FB7] =	sst s9;
	s0 =	simm.s32 @!p0 $0x0  }
0x12: {  	s1 =	sld [smem:$0x3F9D];
	s0 =	simm.s32 @p0 $0x1  }
0x13: {  	[smem:$0x3FB8] =	sst s0;
	s0 =	simm.s32 @!p1 $0x0  }
0x14: {  	s2 =	sld [smem:$0x3F9C];
	s0 =	simm.s32 @p1 $0x1  }
0x15: {  	[smem:$0x3FB9] =	sst s0;
	s0 =	simm.s32 @!p2 $0x0  }
0x16: {  	s3 =	sld [smem:$0x3FDB];
	s0 =	simm.s32 @p2 $0x1  }
0x17: {  	s4 =	simm.s32 $0x1BF5;
	[smem:$0x3FBB] =	sst s0  }
0x18: {  	s0 =	sld [smem:$0x3F9E];
	_ =	swait.ge [sflag:s4], $0x0  }
0x19: {  	s7 =	sld [smem:$0x3F9F]  }
0x1a: {  	s8 =	sadd.s32 $0xFFFFE003, lr  }
0x1b: {  	s9 =	sadd.s32 $0xFFFFFEF7, lr;
	s5 =	simm.s32 $0xFFFFFFFF;
	p2 =	slt.u32 s8, $0xFFFFF086  }
0x1c: {  	p1 =	slt.u32 s9, $0xF7A;
	s5 =	simm.s32 @!p2 $0x0  }
0x1d: {  	s5 =	simm.s32 @p1 $0x1;
	p0 =	seq.s32 s7, s2  }
0x1e: {  	s7 =	smul.u32 @!p0 $0xF7A, s2;
	p2 =	seq.s32 @!p0 s5, $0x0  }
0x1f: {  	s9 =	smul.u32 $0xF7A, s1;
	s8 =	simm.s32 @!p0 $0x1BF5;
	p2 =	por !p2, p0  }
0x20: {  	[sflag:s8] =	ssyncset.s32 @!p0 $0xFFFFF086;
	s6 =	sadd.s32 @!p0 s3, s7;
	s7 =	simm.s32 @!p0 $0x108  }
0x21: {  	s3 =	sadd.s32 s3, s9;
	s6 =	sadd.s32 @!p0 $0x88, s6;
	s7 =	simm.s32 @p2 $0x1082  }
0x22: {  	[simem:s7], [sflag:s8] =	dma.local @!p0 [hbm:s6], $0xF7A  }
0x23: {  	s9 =	sor.u32 $0xD0000000, s2;
	s6 =	simm.s32 $0x108;
	_ =	swait.ge @!p0 [sflag:s8], $0x0  }
0x24: {  	s3 =	sadd.s32 $0x88, s3;
	s6 =	simm.s32 @!p1 $0x1082;
	[sflag:s4] =	ssyncset.s32 $0xFFFFF086  }
0x25: {  	[simem:s6], [sflag:s4] =	dma.local [hbm:s3], $0xF7A  }
0x26: {  	[smem:$0x3F9F] =	sst s1;
	(tag) =	ssettag s2;
	_ =	strace s9  }
0x27: {  	s1 =	sld [smem:$0x3FAF]  }
0x28: {  	s2 =	sld [smem:$0x3FB0]  }
0x29: {  	s4 =	sld [smem:$0x3FB2]  }
0x2a: {  	p0 =	seq.s32 s5, $0x0;
	s5 =	sld [smem:$0x3FB3]  }
0x2b: {  	s6 =	sld [smem:$0x3FB4]  }
0x2c: {  	s7 =	sld [smem:$0x3FB5]  }
0x2d: {  	s3 =	simm.s32 $0x108;
	s8 =	sld [smem:$0x3FB6]  }
0x2e: {  	s3 =	simm.s32 @!p0 $0x1082;
	s9 =	sld [smem:$0x3FB7]  }
0x2f: {  	lr =	sadd.s32 s0, s3;
	s0 =	sld [smem:$0x3FAE]  }
0x30: {  	s3 =	sld [smem:$0x3FB1]  }
0x31: {  	[smem:$0x3FBA] =	sst s10  }
0x32: {  	s10 =	sld [smem:$0x3FB8];
	_ =	sdelay $0x3  }
0x33: {  	p0 =	seq.s32 s10, $0x1;
	s10 =	sld [smem:$0x3FBA];
	_ =	sdelay $0x3  }
0x34: {  	[smem:$0x3FBA] =	sst s10  }
0x35: {  	s10 =	sld [smem:$0x3FB9];
	_ =	sdelay $0x3  }
0x36: {  	p1 =	seq.s32 s10, $0x1;
	s10 =	sld [smem:$0x3FBA];
	_ =	sdelay $0x3  }
0x37: {  	[smem:$0x3FBA] =	sst s10  }
0x38: {  	s10 =	sld [smem:$0x3FBB]  }
0x39: {  	_ = 	snop;
	(pc) =	sbr.ind lr, $3  }
0x3a: {  	_ = 	snop  }
0x3b: {  	_ = 	snop  }
0x3c: {  	p2 =	seq.s32 s10, $0x1;
	s10 =	sld [smem:$0x3FBA]  }
0x3d: {  	_ =	shalt  }
0x3e: {  	_ =	shalt  }
0x3f: {  	_ =	shalt  }
0x40: {  	_ =	shalt  }
0x41: {  	_ =	shalt  }
0x42: {  	_ =	shalt  }
0x43: {  	_ =	shalt  }
0x44: {  	_ =	shalt  }
0x45: {  	_ =	shalt  }
0x46: {  	_ =	shalt  }
0x47: {  	_ =	shalt  }
0x48: {  	_ =	shalt  }
0x49: {  	_ =	shalt  }
0x4a: {  	_ =	shalt  }
0x4b: {  	_ =	shalt  }
0x4c: {  	_ =	shalt  }
0x4d: {  	_ =	shalt  }
0x4e: {  	_ =	shalt  }
0x4f: {  	_ =	shalt  }
0x50: {  	_ =	shalt  }
0x51: {  	_ =	shalt  }
0x52: {  	_ =	shalt  }
0x53: {  	_ =	shalt  }
0x54: {  	_ =	shalt  }
0x55: {  	_ =	shalt  }
0x56: {  	_ =	shalt  }
0x57: {  	_ =	shalt  }
0x58: {  	_ =	shalt  }
0x59: {  	_ =	shalt  }
0x5a: {  	_ =	shalt  }
0x5b: {  	_ =	shalt  }
0x5c: {  	_ =	shalt  }
0x5d: {  	_ =	shalt  }
0x5e: {  	_ =	shalt  }
0x5f: {  	_ =	shalt  }
0x60: {  	_ =	shalt  }
0x61: {  	_ =	shalt  }
0x62: {  	_ =	shalt  }
0x63: {  	_ =	shalt  }
0x64: {  	_ =	shalt  }
0x65: {  	_ =	shalt  }
0x66: {  	_ =	shalt  }
0x67: {  	_ =	shalt  }
0x68: {  	_ =	shalt  }
0x69: {  	_ =	shalt  }
0x6a: {  	_ =	shalt  }
0x6b: {  	_ =	shalt  }
0x6c: {  	_ =	shalt  }
0x6d: {  	_ =	shalt  }
0x6e: {  	_ =	shalt  }
0x6f: {  	_ =	shalt  }
0x70: {  	_ =	shalt  }
0x71: {  	_ =	shalt  }
0x72: {  	_ =	shalt  }
0x73: {  	_ =	shalt  }
0x74: {  	_ =	shalt  }
0x75: {  	_ =	shalt  }
0x76: {  	_ =	shalt  }
0x77: {  	_ =	shalt  }
0x78: {  	_ =	shalt  }
0x79: {  	_ =	shalt  }
0x7a: {  	_ =	shalt  }
0x7b: {  	_ =	shalt  }
0x7c: {  	_ =	shalt  }
0x7d: {  	_ =	shalt  }
0x7e: {  	_ =	shalt  }
0x7f: {  	_ =	shalt  }
0x80: {  	_ =	shalt  }
0x81: {  	_ =	shalt  }
0x82: {  	_ =	shalt  }
0x83: {  	_ =	shalt  }
0x84: {  	_ =	shalt  }
0x85: {  	_ =	shalt  }
0x86: {  	_ =	shalt  }
0x87: {  	_ =	shalt  }
.Lfunc_end0:
.L_simem_size_0:
called_computation_lowered:
.L_overlay_start_0:
0x88: {  	s2 =	sld [smem:$0x3FD9]  }
0x89: {  	s3 =	sld [smem:$0x3FFE];
	_ =	sdelay $0x1  }
0x8a: {  	s1 =	srdreg.scid  }
0x8b: {  	s0 =	sand.u32 $0x1, s1  }
0x8c: {  	s18 =	sshll.u32 s0, $0xA;
	s2 =	sadd.s32 s3, s2  }
0x8d: {  	s2 =	sadd.s32 s2, s18  }
0x8e: {  	[smem:$0x3FC6] =	sst s2  }
0x8f: {  	_ = 	snop  }
0x90: {  	s2 =	sld [smem:$0x3FC9]  }
0x91: {  	s19 =	sld [smem:$0x3FC8]  }
0x92: {  	s4 =	sld [smem:$0x3FD0];
	(tm) =	ssettm $0x1  }
0x93: {  	s5 =	sld [smem:$0x3FFB];
	_ =	sdelay $0x3  }
0x94: {  	_ =	strace s5  }
0x95: {  	s5 =	sld [smem:$0x3FFC];
	_ =	sdelay $0x3  }
0x96: {  	_ =	strace s5  }
0x97: {  	s5 =	sld [smem:$0x3FFD];
	_ =	sdelay $0x3  }
0x98: {  	_ =	strace s5  }
0x99: {  	_ =	strace $0x8FFFFFFF  }
0x9a: {  	s20 =	sld [smem:$0x3FDB];
	_ =	sdelay $0x1  }
0x9b: {  	s6 =	simm.s32 $_scs_section_size  }
0x9c: {  	s7 =	simm.s32 $_size__tile_overlayer_lowered;
	s8 =	simm.s32 $_tile_overlayer_lowered  }
0x9d: {  	s23 =	simm.s32 $0x1BFF;
	s22 =	sshll.u32 s8, $0x1;
	s5 =	sadd.s32 s6, s20  }
0x9e: {  	s9 =	simm.s32 $0x0;
	s21 =	sshll.u32 s7, $0x1;
	s7 =	sadd.s32 s22, s5  }
0x9f: {  	[timem:s9], [sflag:s23] =	dma.local [hbm:s7], s21  }
0xa0: {  	_ =	swait.ge [sflag:s23], s21  }
0xa1: {  	s6 =	ssub.s32 $0x0, s21;
	[sflag:s23] =	ssyncset.done $0x0  }
0xa2: {  	[sflag:s23] =	ssyncadd.s32 s6;
	_ =	sdelay $0x1  }
0xa3: {  	s24 =	simm.s32 $0x1B8B  }
0xa4: {  	_ =	swait.ge [sflag:s24], $0x1  }
0xa5: {  	[sflag:s24] =	ssyncset.done $0x0  }
0xa6: {  	s25 =	simm.s32 $0x1B8E;
	[sflag:s24] =	ssyncadd.s32 $0xFFFFFFFF  }
0xa7: {  	s26 =	simm.s32 $execute0_lowered;
	[smem:$0x3FD2] =	sst s25  }
0xa8: {  	s6 =	sshll.u32 s26, $0x1;
	_ =	strace $0x80000046;
	[dreg:$0x1] =	wrdreg $0xFFFFFFFF  }
0xa9: {  	s28 =	simm.s32 $_size_execute0_lowered;
	s5 =	sadd.s32 s5, s6;
	[dreg:$0x0] =	wrdreg $0x0  }
0xaa: {  	s6 =	sshll.u32 s28, $0x1;
	[dreg:$0x2] =	wrdreg s5  }
0xab: {  	[dreg:$0x3] =	wrdreg s6  }
0xac: {  	[dreg:$0x4] =	wrdreg $0xC0  }
0xad: {  	_ =	task [dreg:s9], $0x5FFFF  }
0xae: {  	[dreg:$0x1] =	wrdreg $0xFFFFFFFF  }
0xaf: {  	[dreg:$0x0] =	wrdreg $0x60  }
0xb0: {  	[dreg:$0x2] =	wrdreg s2  }
0xb1: {  	[dreg:$0x3] =	wrdreg s19  }
0xb2: {  	[dreg:$0x4] =	wrdreg s4  }
0xb3: {  	[dreg:$0x5] =	wrdreg $0x9  }
0xb4: {  	_ =	task.clear_ibuf [dreg:s9], $0x6FFFF;
	_ =	strace $0x90000046  }
0xb5: {  	s29 =	simm.s32 $0x9;
	_ =	strace $0x80000048  }
0xb6: {  	_ =	swait.ge [sflag:s29], $0x1  }
0xb7: {  	[sflag:s29] =	ssyncadd.s32 $0xFFFFFFFF  }
0xb8: {  	_ =	strace $0x90000048  }
0xb9: {  	_ =	sfence  }
0xba: {  	s30 =	sld [smem:$0x0];
	_ =	sdelay $0x2  }
0xbb: {  	s31 =	sshll.u32 s1, $0xD;
	s1 =	sshrl.u32 s1, $0x2  }
0xbc: {  	s3 =	sand.u32 $0x4000, s31;
	s1 =	sadd.s32 s1, s30  }
0xbd: {  	s0 =	sor.u32 s3, s0;
	s1 =	sshll.u32 s1, $0x11  }
0xbe: {  	s0 =	sor.u32 s1, s0  }
0xbf: {  	s0 =	sadd.s32 $0x8F2B, s0  }
0xc0: {  	[sflag:s0] =	ssyncadd.remote.s32 $0x1  }
0xc1: {  	_ =	sfence.sel $0xFFFF  }
0xc2: {  	[dreg:$0x0] =	wrdreg $0xFFFFFFFF;
	(pc) =	sbr.abs _section_cstart, $3  }
0xc3: {  	[dreg:$0x1] =	wrdreg $0xFFFFFFFF  }
0xc4: {  	_ =	task.clear_ibuf [dreg:s9], $0x2FFFF;
	_ =	strace $0x9FFFFFFF  }
0xc5: {  	(tm) =	ssettm $0x7FFFFFFF  }
tec
execute0_lowered:
.L_overlay_start_1:
0x0: {  	(tag) =	ssettag $0x1  }
0x1: {  	s0 =	srdreg.scid;
	s3 =	rddreg [dreg:$0x1]  }
0x2: {  	s1 =	stileid.u32;
	s4 =	rddreg [dreg:$0x2];
	s2 =	simm.s32 $0x0  }
0x3: {  	s11 =	simm.s32 $0x100;
	s12 =	simm.s32 $0x400;
	s13 =	simm.s32 $0x8000  }
0x4: {  	s14 =	simm.s32 $0x5;
	s15 =	simm.s32 $0x1;
	s16 =	simm.s32 $0x13600  }
0x5: {  	s17 =	simm.s32 $0x1EC00;
	s0 =	sand.u32 $0x1, s0;
	s1 =	sshll.u32 s1, $0x1  }
0x6: {  	s18 =	simm.s32 $0x1F000;
	s19 =	simm.s32 $0x1F400;
	s1 =	sor.u32 s0, s1  }
0x7: {  	s20 =	simm.s32 $0x1F800;
	s21 =	simm.s32 $0x2;
	s6 =	smul.u32 $0x36, s1  }
0x8: {  	s22 =	simm.s32 $0x3;
	s23 =	simm.s32 $0x4;
	s24 =	simm.s32 $0x0  }
0x9: {  	s0 =	ssub.s32 $0x2, s0;
	s1 =	smul.u32 $0x300, s1;
	s29 =	sshrl.u32 s6, $0x3  }
0xa: {  	[smem:$0x7FF] =	sst s2;
	s5 =	sshrl.u32 s0, $0x1;
	s2 =	smul.u32 $0x2D800, s29  }
0xb: {  	_ =	strace $0x80000047;
	s0 =	ssub.s32 s0, s5;
	s1 =	sand.u32 $0x300, s1  }
0xc: {  	s30 =	sadd.s32 $0x34, s6;
	s8 =	sadd.s32 $0x2, s6;
	s1 =	sor.u32 s1, s2  }
0xd: {  	s31 =	sshll.u32 s30, $0x9;
	s5 =	sshll.u32 s30, $0x7;
	s1 =	sshrl.u32 s1, $0x3  }
0xe: {  	s5 =	sand.u32 $0x300, s5;
	s2 =	sand.u32 $0x1FF000, s31;
	s1 =	sadd.s32 s3, s1  }
0xf: {  	s10 =	smax.u32 s0, $0x1;
	s9 =	sor.u32 s5, s2;
	[dreg:$0x4] =	wrdreg s1  }
.LBB2_1:
0x10: {  	s0 =	rddreg [dreg:$0x4]  }
0x11: {  	[tilespmem:s13], [sflag:$0x1] =	stream.strided.gather [hbm4b:s0+s11], $0xB600, s12, s11, $0x38;
	[tilespmem:$0x1FC00] =	vst v63  }
0x12: {  	s31 =	rddreg [dreg:$0x0];
	s1 =	simm.s32 $0x0  }
0x13: {  	[tilespmem:s1], [sflag:$0x5] =	stream.linear.gather [hbm4b:s31+s1], $0x8000, $0x38;
	[tilespmem:$0x1FC00] =	vst v63  }
0x14: {  	_ =	swait.ge [sflag:s14], $0x8000  }
0x15: {  	[sflag:s14] =	ssyncset.done $0x0  }
0x16: {  	s25 =	simm.s32 $0x0;
	[sflag:s14] =	ssyncadd.s32 $0xFFFF8000  }
.LBB2_2:
0x17: {  	s26 =	sshll.u32 s25, $0x2  }
0x18: {  	s0 =	sadd.s32 s6, s26  }
0x19: {  	s1 =	sadd.s32 $0x2, s0  }
0x1a: {  	s2 =	sshrl.u32 s1, $0x3  }
0x1b: {  	s1 =	sshll.u32 s1, $0x7;
	s2 =	smul.u32 $0x2D800, s2  }
0x1c: {  	_ =	swait.ge [sflag:s15], $0xB600;
	s1 =	sand.u32 $0x300, s1  }
0x1d: {  	[sflag:s15] =	ssyncset.done $0x0;
	s1 =	sor.u32 s1, s2  }
0x1e: {  	[sflag:s15] =	ssyncadd.s32 $0xFFFF4A00;
	s1 =	sshrl.u32 s1, $0x3  }
0x1f: {  	s7 =	sshll.u32 s0, $0x9;
	s0 =	sshll.u32 s0, $0x7;
	s1 =	sadd.s32 s3, s1  }
0x20: {  	[tilespmem:s16], [sflag:$0x2] =	stream.strided.gather [hbm4b:s1+s11], $0xB600, s12, s11, $0x38;
	[tilespmem:$0x1FC00] =	vst v63  }
0x21: {  	s29 =	simm.s32 $0x0;
	s0 =	sand.u32 $0x300, s0;
	s1 =	sand.u32 $0x7FFFF000, s7  }
0x22: {  	s30 =	simm.s32 $0x40;
	s31 =	simm.s32 $0x470;
	s28 =	sor.u32 s0, s1  }
.LBB2_3:
0x23: {  	s0 =	sor.u32 s25, s29  }
0x24: {  	p0 =	seq.s32 s0, $0x0  }
0x25: {  	s0 =	simm.s32 @!p0 $0x3  }
0x26: {  	_ =	swait.ge @!p0 [sflag:s0], $0x800  }
0x27: {  	[sflag:s0] =	ssyncset.done @!p0 $0x0  }
0x28: {  	[sflag:s0] =	ssyncadd.s32 @!p0 $0xFFFFF800  }
0x29: {  	v0 =	vld [tilespmem:s30+$0xFFFFFFC0]  }
0x2a: {  	v1 =	vld [tilespmem:s30+$0x30];
	_ =	sdelay $0x3  }
0x2b: {  	v4 =	vld [tilespmem:s30+$0x20];
	v2 =	vshll.u32 v0, $0x1  }
0x2c: {  	v5 =	vld [tilespmem:s30+$0xFFFFFFE0];
	v3 =	vshll.u32 v1, $0x1;
	v0 =	vand.u32 $0x7F, v0;
	v2 =	vand.u32 $0xFFFFFF00, v2  }
0x2d: {  	v1 =	vand.u32 $0x7F, v1;
	v3 =	vand.u32 $0xFFFFFF00, v3;
	v0 =	vor.u32 v0, v2  }
0x2e: {  	v6 =	vld [tilespmem:s30+$0x0];
	v1 =	vor.u32 v1, v3  }
0x2f: {  	v3 =	vld [tilespmem:s30+$0x10]  }
0x30: {  	v7 =	vshll.u32 v4, $0x1;
	v2 =	vld [tilespmem:s30+$0xFFFFFFF0]  }
0x31: {  	v8 =	vld [tilespmem:s30+$0xFFFFFFD0];
	v4 =	vand.u32 $0x7F, v4;
	v14 =	vshll.u32 v5, $0x1;
	v7 =	vand.u32 $0xFFFFFF00, v7  }
0x32: {  	v5 =	vand.u32 $0x7F, v5;
	v14 =	vand.u32 $0xFFFFFF00, v14;
	v4 =	vor.u32 v4, v7;
	v9 =	vld.idx.msk [tilespmem:v0+s13+$0x0], $0xffff  }
0x33: {  	s0 =	sadd.s32 $0x80, s30;
	v5 =	vor.u32 v5, v14;
	v10 =	vor.u32 $0x80, v0;
	v7 =	vld.idx.msk [tilespmem:v1+s13+$0x0], $0xffff  }
0x34: {  	v15 =	vld [tilespmem:s0+$0x30];
	v12 =	vor.u32 $0x80, v1;
	v11 =	vshll.u32 v3, $0x1;
	v3 =	vand.u32 $0x7F, v3  }
0x35: {  	v16 =	vld [tilespmem:s0+$0xFFFFFFC0];
	v13 =	vand.u32 $0x7F, v2;
	v2 =	vshll.u32 v2, $0x1;
	v11 =	vand.u32 $0xFFFFFF00, v11  }
0x36: {  	s2 =	simm.s32 $0x1EC80;
	v18 =	vld [tilespmem:s0+$0x20];
	v2 =	vand.u32 $0xFFFFFF00, v2;
	v3 =	vor.u32 v3, v11;
	v11 =	vshll.u32 v6, $0x1  }
0x37: {  	v6 =	vand.u32 $0x7F, v6;
	v13 =	vor.u32 v13, v2;
	v2 =	vand.u32 $0xFFFFFF00, v11;
	[tilespmem:s2+$0xFFFFFF80] =	vst v9;
	v9 =	vld.idx.msk [tilespmem:v4+s13+$0x0], $0xffff  }
0x38: {  	v6 =	vor.u32 v6, v2;
	[tilespmem:s2+$0xFFFFFFF0] =	vst v7;
	v7 =	vshll.u32 v8, $0x1;
	v10 =	vld.idx.msk [tilespmem:v10+s13+$0x0], $0xffff  }
0x39: {  	v4 =	vor.u32 $0x80, v4;
	v8 =	vand.u32 $0x7F, v8;
	v11 =	vld.idx.msk [tilespmem:v12+s13+$0x0], $0xffff;
	v7 =	vand.u32 $0xFFFFFF00, v7  }
0x3a: {  	v12 =	vld.idx.msk [tilespmem:v5+s13+$0x0], $0xffff;
	v7 =	vor.u32 v8, v7  }
0x3b: {  	v8 =	vld.idx.msk [tilespmem:v3+s13+$0x0], $0xffff  }
0x3c: {  	v14 =	vld.idx.msk [tilespmem:v13+s13+$0x0], $0xffff;
	v3 =	vor.u32 $0x80, v3  }
0x3d: {  	v5 =	vor.u32 $0x80, v5;
	v17 =	vld.idx.msk [tilespmem:v6+s13+$0x0], $0xffff;
	[tilespmem:s2+$0xFFFFFFE0] =	vst v9  }
0x3e: {  	v9 =	vor.u32 $0x80, v13;
	v13 =	vld.idx.msk [tilespmem:v4+s13+$0x0], $0xffff  }
0x3f: {  	v6 =	vor.u32 $0x80, v6;
	[tilespmem:s2+$0x0] =	vst v10;
	v4 =	vld.idx.msk [tilespmem:v7+s13+$0x0], $0xffff  }
0x40: {  	v0 =	vld [tilespmem:s0+$0xFFFFFFE0];
	[tilespmem:s2+$0xFFFFFFD0] =	vst v8  }
0x41: {  	[tilespmem:s2+$0xFFFFFFA0] =	vst v12;
	v19 =	vld.idx.msk [tilespmem:v3+s13+$0x0], $0xffff  }
0x42: {  	[tilespmem:s2+$0x70] =	vst v11;
	v10 =	vshll.u32 v16, $0x1;
	v3 =	vld.idx.msk [tilespmem:v5+s13+$0x0], $0xffff;
	v5 =	vshll.u32 v15, $0x1  }
0x43: {  	v2 =	vld [tilespmem:s0+$0x10];
	v11 =	vand.u32 $0x7F, v15;
	v7 =	vor.u32 $0x80, v7;
	[tilespmem:s2+$0xFFFFFFC0] =	vst v17;
	v5 =	vand.u32 $0xFFFFFF00, v5  }
0x44: {  	v10 =	vand.u32 $0xFFFFFF00, v10;
	[tilespmem:s2+$0xFFFFFF90] =	vst v4;
	v4 =	vld.idx.msk [tilespmem:v6+s13+$0x0], $0xffff;
	v6 =	vor.u32 v11, v5;
	v11 =	vand.u32 $0x7F, v16  }
0x45: {  	[tilespmem:s2+$0xFFFFFFB0] =	vst v14;
	v8 =	vld [tilespmem:s0+$0x0];
	v10 =	vor.u32 v11, v10  }
0x46: {  	v9 =	vld.idx.msk [tilespmem:v9+s13+$0x0], $0xffff  }
0x47: {  	v1 =	vld [tilespmem:s0+$0xFFFFFFF0]  }
0x48: {  	v12 =	vshll.u32 v18, $0x1;
	[tilespmem:s2+$0x60] =	vst v13;
	v5 =	vld.idx.msk [tilespmem:v7+s13+$0x0], $0xffff  }
0x49: {  	s5 =	simm.s32 $0x8;
	s1 =	simm.s32 $0x1EC80;
	v11 =	vand.u32 $0xFFFFFF00, v12;
	v7 =	vld [tilespmem:s0+$0xFFFFFFD0];
	v12 =	vand.u32 $0x7F, v18;
	[tilespmem:s2+$0x50] =	vst v19  }
.LBB2_4:
0x4a: {  	s5 =	sadd.s32 $0x8, s5;
	v13 =	vld.idx.msk [tilespmem:v10+s13+$0x0], $0xffff;
	v10 =	vor.u32 $0x80, v10;
	v14 =	vshll.u32 v2, $0x1;
	v15 =	vor.u32 $0x80, v6;
	s2 =	sadd.s32 $0x100, s2  }
0x4b: {  	v2 =	vand.u32 $0x7F, v2;
	v11 =	vor.u32 v12, v11;
	s0 =	sadd.s32 $0x80, s0;
	p1 =	slt.u32 s5, $0x38;
	v16 =	vand.u32 $0x7F, v8;
	v6 =	vld.idx.msk [tilespmem:v6+s13+$0x0], $0xffff;
	[tilespmem:s1+$0x30] =	vst v9  }
0x4c: {  	v12 =	vand.u32 $0x7F, v1;
	v17 =	vshll.u32 v1, $0x1;
	v18 =	vor.u32 $0x80, v11;
	v9 =	vld [tilespmem:s0+$0xFFFFFFE0];
	[tilespmem:s1+$0x20] =	vst v3  }
0x4d: {  	v17 =	vand.u32 $0xFFFFFF00, v17;
	v8 =	vshll.u32 v8, $0x1;
	v3 =	vshll.u32 v0, $0x1;
	v1 =	vld [tilespmem:s0+$0xFFFFFFF0];
	[tilespmem:s1+$0x40] =	vst v4  }
0x4e: {  	v14 =	vand.u32 $0xFFFFFF00, v14;
	v3 =	vand.u32 $0xFFFFFF00, v3;
	v4 =	vld [tilespmem:s0+$0x30];
	v19 =	vand.u32 $0x7F, v7;
	[tilespmem:s1+$0x10] =	vst v5;
	s1 =	smov.u32 s2  }
0x4f: {  	v20 =	vand.u32 $0x7F, v0;
	v12 =	vor.u32 v12, v17;
	v14 =	vor.u32 v2, v14;
	v5 =	vld [tilespmem:s0+$0xFFFFFFC0]  }
0x50: {  	v2 =	vshll.u32 v7, $0x1;
	v3 =	vor.u32 v20, v3;
	[tilespmem:s2+$0xFFFFFF80] =	vst v13;
	v13 =	vand.u32 $0xFFFFFF00, v8;
	v7 =	vld.idx.msk [tilespmem:v11+s13+$0x0], $0xffff  }
0x51: {  	v2 =	vand.u32 $0xFFFFFF00, v2;
	v8 =	vld.idx.msk [tilespmem:v10+s13+$0x0], $0xffff;
	v10 =	vor.u32 v16, v13;
	[tilespmem:s2+$0xFFFFFFF0] =	vst v6;
	v0 =	vmov v9  }
0x52: {  	v9 =	vor.u32 v19, v2;
	v11 =	vld.idx.msk [tilespmem:v15+s13+$0x0], $0xffff  }
0x53: {  	v2 =	vld [tilespmem:s0+$0x10];
	v6 =	vand.u32 $0x7F, v4;
	v4 =	vshll.u32 v4, $0x1  }
0x54: {  	v13 =	vshll.u32 v5, $0x1;
	v4 =	vand.u32 $0xFFFFFF00, v4;
	v15 =	vld.idx.msk [tilespmem:v14+s13+$0x0], $0xffff  }
0x55: {  	v13 =	vand.u32 $0xFFFFFF00, v13;
	v6 =	vor.u32 v6, v4;
	v4 =	vld.idx.msk [tilespmem:v3+s13+$0x0], $0xffff  }
0x56: {  	v14 =	vor.u32 $0x80, v14;
	v16 =	vld.idx.msk [tilespmem:v12+s13+$0x0], $0xffff;
	[tilespmem:s2+$0xFFFFFFE0] =	vst v7  }
0x57: {  	v3 =	vor.u32 $0x80, v3;
	[tilespmem:s2+$0x0] =	vst v8;
	v7 =	vld.idx.msk [tilespmem:v10+s13+$0x0], $0xffff  }
0x58: {  	v8 =	vor.u32 $0x80, v12;
	v12 =	vld.idx.msk [tilespmem:v18+s13+$0x0], $0xffff;
	[tilespmem:s2+$0x70] =	vst v11  }
0x59: {  	v11 =	vld.idx.msk [tilespmem:v9+s13+$0x0], $0xffff  }
0x5a: {  	v19 =	vor.u32 $0x80, v10;
	v18 =	vor.u32 $0x80, v9;
	v17 =	vld [tilespmem:s0+$0x20];
	[tilespmem:s2+$0xFFFFFFD0] =	vst v15  }
0x5b: {  	[tilespmem:s2+$0xFFFFFFA0] =	vst v4;
	v14 =	vld.idx.msk [tilespmem:v14+s13+$0x0], $0xffff  }
0x5c: {  	v4 =	vand.u32 $0x7F, v5;
	v3 =	vld.idx.msk [tilespmem:v3+s13+$0x0], $0xffff;
	[tilespmem:s2+$0xFFFFFFB0] =	vst v16  }
.Ltmp0:
0x5d: {  	v10 =	vor.u32 v4, v13;
	v9 =	vld.idx.msk [tilespmem:v8+s13+$0x0], $0xffff;
	[tilespmem:s2+$0xFFFFFFC0] =	vst v7;
	(pc) =	sbr.rel @p1 .LBB2_4-.Ltmp0, $4  }
0x5e: {  	v8 =	vld [tilespmem:s0+$0x0];
	[tilespmem:s2+$0x60] =	vst v12  }
0x5f: {  	v5 =	vshll.u32 v17, $0x1;
	[tilespmem:s2+$0xFFFFFF90] =	vst v11;
	v4 =	vld.idx.msk [tilespmem:v19+s13+$0x0], $0xffff  }
0x60: {  	v11 =	vand.u32 $0xFFFFFF00, v5;
	v5 =	vld.idx.msk [tilespmem:v18+s13+$0x0], $0xffff  }
0x61: {  	v12 =	vand.u32 $0x7F, v17;
	v7 =	vld [tilespmem:s0+$0xFFFFFFD0];
	[tilespmem:s2+$0x50] =	vst v14  }
0x62: {  	_ =	sdelay $0x2  }
0x63: {  	v13 =	vor.u32 $0x80, v10  }
0x64: {  	v10 =	vld.idx.msk [tilespmem:v10+s13+$0x0], $0xffff;
	v14 =	vshll.u32 v2, $0x1;
	v15 =	vor.u32 $0x80, v6;
	v11 =	vor.u32 v12, v11  }
0x65: {  	v2 =	vand.u32 $0x7F, v2;
	v6 =	vld.idx.msk [tilespmem:v6+s13+$0x0], $0xffff;
	v16 =	vand.u32 $0x7F, v1;
	v1 =	vshll.u32 v1, $0x1  }
0x66: {  	v17 =	vshll.u32 v0, $0x1;
	v0 =	vand.u32 $0x7F, v0;
	v14 =	vand.u32 $0xFFFFFF00, v14  }
0x67: {  	v12 =	vand.u32 $0x7F, v8;
	v1 =	vand.u32 $0xFFFFFF00, v1;
	v2 =	vor.u32 v2, v14  }
0x68: {  	s0 =	sadd.s32 $0x100, s2;
	[tilespmem:s1+$0x30] =	vst v9;
	v8 =	vshll.u32 v8, $0x1;
	v9 =	vand.u32 $0xFFFFFF00, v17;
	v1 =	vor.u32 v16, v1  }
0x69: {  	v0 =	vor.u32 v0, v9;
	v8 =	vand.u32 $0xFFFFFF00, v8;
	[tilespmem:s0+$0xFFFFFF80] =	vst v10;
	v10 =	vshll.u32 v7, $0x1;
	v9 =	vld.idx.msk [tilespmem:v11+s13+$0x0], $0xffff  }
0x6a: {  	v8 =	vor.u32 v12, v8;
	v7 =	vand.u32 $0x7F, v7;
	[tilespmem:s0+$0xFFFFFFF0] =	vst v6;
	v13 =	vld.idx.msk [tilespmem:v13+s13+$0x0], $0xffff;
	v10 =	vand.u32 $0xFFFFFF00, v10  }
0x6b: {  	[tilespmem:s1+$0x20] =	vst v3;
	v6 =	vld.idx.msk [tilespmem:v15+s13+$0x0], $0xffff;
	v3 =	vor.u32 v7, v10  }
0x6c: {  	[tilespmem:s1+$0x40] =	vst v4;
	v7 =	vor.u32 $0x80, v11;
	v4 =	vld.idx.msk [tilespmem:v2+s13+$0x0], $0xffff  }
0x6d: {  	[tilespmem:s1+$0x10] =	vst v5;
	v5 =	vld.idx.msk [tilespmem:v1+s13+$0x0], $0xffff;
	v2 =	vor.u32 $0x80, v2  }
0x6e: {  	v10 =	vld.idx.msk [tilespmem:v0+s13+$0x0], $0xffff;
	v1 =	vor.u32 $0x80, v1;
	[tilespmem:s0+$0xFFFFFFE0] =	vst v9  }
0x6f: {  	v0 =	vor.u32 $0x80, v0;
	v9 =	vld.idx.msk [tilespmem:v8+s13+$0x0], $0xffff;
	[tilespmem:s0+$0x0] =	vst v13  }
0x70: {  	v8 =	vor.u32 $0x80, v8;
	[tilespmem:s0+$0x70] =	vst v6;
	v6 =	vld.idx.msk [tilespmem:v3+s13+$0x0], $0xffff  }
0x71: {  	v7 =	vld.idx.msk [tilespmem:v7+s13+$0x0], $0xffff;
	v3 =	vor.u32 $0x80, v3;
	[tilespmem:s0+$0xFFFFFFD0] =	vst v4  }
0x72: {  	[tilespmem:s0+$0xFFFFFFB0] =	vst v5;
	v2 =	vld.idx.msk [tilespmem:v2+s13+$0x0], $0xffff  }
0x73: {  	[tilespmem:s0+$0xFFFFFFA0] =	vst v10;
	v1 =	vld.idx.msk [tilespmem:v1+s13+$0x0], $0xffff  }
0x74: {  	v0 =	vld.idx.msk [tilespmem:v0+s13+$0x0], $0xffff;
	[tilespmem:s0+$0xFFFFFFC0] =	vst v9  }
0x75: {  	v4 =	vld.idx.msk [tilespmem:v8+s13+$0x0], $0xffff;
	[tilespmem:s0+$0xFFFFFF90] =	vst v6  }
0x76: {  	[tilespmem:s0+$0x60] =	vst v7;
	v3 =	vld.idx.msk [tilespmem:v3+s13+$0x0], $0xffff  }
0x77: {  	s5 =	smul.u32 $0x360000, s29;
	[tilespmem:s0+$0x50] =	vst v2  }
0x78: {  	[tilespmem:s0+$0x30] =	vst v1  }
0x79: {  	s1 =	sadd.s32 s28, s5;
	[tilespmem:s0+$0x20] =	vst v0  }
0x7a: {  	s1 =	sshrl.u32 s1, $0x3;
	[tilespmem:s0+$0x40] =	vst v4  }
0x7b: {  	s7 =	sadd.s32 s4, s1;
	[tilespmem:s0+$0x10] =	vst v3  }
0x7c: {  	[hbm4b:s7+s11] =	stream.strided.scatter [tilespmem:s17], [sflag:$0x3], $0x400, s12, s11, $0x38;
	[tilespmem:$0x1FC00] =	vst v63  }
0x7d: {  	s0 =	sadd.s32 $0x1B000, s7  }
0x7e: {  	[hbm4b:s0+s11] =	stream.strided.scatter [tilespmem:s18], [sflag:$0x3], $0x400, s12, s11, $0x38;
	[tilespmem:$0x1FC00] =	vst v63  }
0x7f: {  	s0 =	simm.s32 @!p0 $0x4  }
0x80: {  	_ =	swait.ge @!p0 [sflag:s0], $0x800  }
0x81: {  	[sflag:s0] =	ssyncset.done @!p0 $0x0  }
0x82: {  	[sflag:s0] =	ssyncadd.s32 @!p0 $0xFFFFF800  }
0x83: {  	v0 =	vld [tilespmem:s31+$0xFFFFFF90]  }
0x84: {  	v1 =	vld [tilespmem:s31+$0x0];
	_ =	sdelay $0x3  }
0x85: {  	v4 =	vld [tilespmem:s31+$0xFFFFFFF0];
	v2 =	vshll.u32 v0, $0x1  }
0x86: {  	v5 =	vld [tilespmem:s31+$0xFFFFFFB0];
	v3 =	vshll.u32 v1, $0x1;
	v0 =	vand.u32 $0x7F, v0;
	v2 =	vand.u32 $0xFFFFFF00, v2  }
0x87: {  	v1 =	vand.u32 $0x7F, v1;
	v3 =	vand.u32 $0xFFFFFF00, v3;
	v0 =	vor.u32 v0, v2  }
0x88: {  	v6 =	vld [tilespmem:s31+$0xFFFFFFD0];
	v1 =	vor.u32 v1, v3  }
0x89: {  	v3 =	vld [tilespmem:s31+$0xFFFFFFE0]  }
0x8a: {  	v7 =	vshll.u32 v4, $0x1;
	v2 =	vld [tilespmem:s31+$0xFFFFFFC0]  }
0x8b: {  	v8 =	vld [tilespmem:s31+$0xFFFFFFA0];
	v4 =	vand.u32 $0x7F, v4;
	v14 =	vshll.u32 v5, $0x1;
	v7 =	vand.u32 $0xFFFFFF00, v7  }
0x8c: {  	v5 =	vand.u32 $0x7F, v5;
	v14 =	vand.u32 $0xFFFFFF00, v14;
	v4 =	vor.u32 v4, v7;
	v9 =	vld.idx.msk [tilespmem:v0+s13+$0x0], $0xffff  }
0x8d: {  	s0 =	sadd.s32 $0x80, s31;
	v5 =	vor.u32 v5, v14;
	v10 =	vor.u32 $0x80, v0;
	v7 =	vld.idx.msk [tilespmem:v1+s13+$0x0], $0xffff  }
0x8e: {  	v15 =	vld [tilespmem:s0+$0x0];
	v12 =	vor.u32 $0x80, v1;
	v11 =	vshll.u32 v3, $0x1;
	v3 =	vand.u32 $0x7F, v3  }
0x8f: {  	v62 =	vld [tilespmem:s0+$0xFFFFFF90];
	v13 =	vand.u32 $0x7F, v2;
	v2 =	vshll.u32 v2, $0x1;
	v11 =	vand.u32 $0xFFFFFF00, v11  }
0x90: {  	s2 =	simm.s32 $0x1F480;
	v18 =	vld [tilespmem:s0+$0xFFFFFFF0];
	v2 =	vand.u32 $0xFFFFFF00, v2;
	v3 =	vor.u32 v3, v11;
	v11 =	vshll.u32 v6, $0x1  }
0x91: {  	v6 =	vand.u32 $0x7F, v6;
	v13 =	vor.u32 v13, v2;
	v2 =	vand.u32 $0xFFFFFF00, v11;
	[tilespmem:s2+$0xFFFFFF80] =	vst v9;
	v9 =	vld.idx.msk [tilespmem:v4+s13+$0x0], $0xffff  }
0x92: {  	v6 =	vor.u32 v6, v2;
	[tilespmem:s2+$0xFFFFFFF0] =	vst v7;
	v7 =	vshll.u32 v8, $0x1;
	v10 =	vld.idx.msk [tilespmem:v10+s13+$0x0], $0xffff  }
0x93: {  	v4 =	vor.u32 $0x80, v4;
	v8 =	vand.u32 $0x7F, v8;
	v11 =	vld.idx.msk [tilespmem:v12+s13+$0x0], $0xffff;
	v7 =	vand.u32 $0xFFFFFF00, v7  }
0x94: {  	v12 =	vld.idx.msk [tilespmem:v5+s13+$0x0], $0xffff;
	v7 =	vor.u32 v8, v7  }
0x95: {  	v8 =	vld.idx.msk [tilespmem:v3+s13+$0x0], $0xffff  }
0x96: {  	v14 =	vld.idx.msk [tilespmem:v13+s13+$0x0], $0xffff;
	v3 =	vor.u32 $0x80, v3  }
0x97: {  	v5 =	vor.u32 $0x80, v5;
	v63 =	vld.idx.msk [tilespmem:v6+s13+$0x0], $0xffff;
	[tilespmem:s2+$0xFFFFFFE0] =	vst v9  }
0x98: {  	v9 =	vor.u32 $0x80, v13;
	v13 =	vld.idx.msk [tilespmem:v4+s13+$0x0], $0xffff  }
0x99: {  	v6 =	vor.u32 $0x80, v6;
	[tilespmem:s2+$0x0] =	vst v10;
	v4 =	vld.idx.msk [tilespmem:v7+s13+$0x0], $0xffff  }
0x9a: {  	v0 =	vld [tilespmem:s0+$0xFFFFFFB0];
	[tilespmem:s2+$0xFFFFFFD0] =	vst v8  }
0x9b: {  	[tilespmem:s2+$0xFFFFFFA0] =	vst v12;
	v19 =	vld.idx.msk [tilespmem:v3+s13+$0x0], $0xffff  }
0x9c: {  	[tilespmem:s2+$0x70] =	vst v11;
	v10 =	vshll.u32 v62, $0x1;
	v3 =	vld.idx.msk [tilespmem:v5+s13+$0x0], $0xffff;
	v5 =	vshll.u32 v15, $0x1  }
0x9d: {  	v2 =	vld [tilespmem:s0+$0xFFFFFFE0];
	v11 =	vand.u32 $0x7F, v15;
	v7 =	vor.u32 $0x80, v7;
	[tilespmem:s2+$0xFFFFFFC0] =	vst v63;
	v5 =	vand.u32 $0xFFFFFF00, v5  }
0x9e: {  	v10 =	vand.u32 $0xFFFFFF00, v10;
	[tilespmem:s2+$0xFFFFFF90] =	vst v4;
	v4 =	vld.idx.msk [tilespmem:v6+s13+$0x0], $0xffff;
	v6 =	vor.u32 v11, v5;
	v11 =	vand.u32 $0x7F, v62  }
0x9f: {  	[tilespmem:s2+$0xFFFFFFB0] =	vst v14;
	v8 =	vld [tilespmem:s0+$0xFFFFFFD0];
	v10 =	vor.u32 v11, v10  }
0xa0: {  	v9 =	vld.idx.msk [tilespmem:v9+s13+$0x0], $0xffff  }
0xa1: {  	v1 =	vld [tilespmem:s0+$0xFFFFFFC0]  }
0xa2: {  	v12 =	vshll.u32 v18, $0x1;
	[tilespmem:s2+$0x60] =	vst v13;
	v5 =	vld.idx.msk [tilespmem:v7+s13+$0x0], $0xffff  }
0xa3: {  	s5 =	simm.s32 $0x1F480;
	s1 =	sshllo.u32 s29, $0x1;
	s7 =	simm.s32 $0x8;
	v11 =	vand.u32 $0xFFFFFF00, v12;
	v7 =	vld [tilespmem:s0+$0xFFFFFFA0];
	v12 =	vand.u32 $0x7F, v18;
	[tilespmem:s2+$0x50] =	vst v19  }
.LBB2_6:
0xa4: {  	s7 =	sadd.s32 $0x8, s7;
	v13 =	vld.idx.msk [tilespmem:v10+s13+$0x0], $0xffff;
	v10 =	vor.u32 $0x80, v10;
	v14 =	vshll.u32 v2, $0x1;
	v15 =	vor.u32 $0x80, v6;
	s2 =	sadd.s32 $0x100, s2  }
0xa5: {  	v2 =	vand.u32 $0x7F, v2;
	v11 =	vor.u32 v12, v11;
	s0 =	sadd.s32 $0x80, s0;
	p0 =	slt.u32 s7, $0x38;
	v16 =	vand.u32 $0x7F, v8;
	v6 =	vld.idx.msk [tilespmem:v6+s13+$0x0], $0xffff;
	[tilespmem:s5+$0x30] =	vst v9  }
0xa6: {  	v12 =	vand.u32 $0x7F, v1;
	v17 =	vshll.u32 v1, $0x1;
	v18 =	vor.u32 $0x80, v11;
	v9 =	vld [tilespmem:s0+$0xFFFFFFB0];
	[tilespmem:s5+$0x20] =	vst v3  }
0xa7: {  	v17 =	vand.u32 $0xFFFFFF00, v17;
	v8 =	vshll.u32 v8, $0x1;
	v3 =	vshll.u32 v0, $0x1;
	v1 =	vld [tilespmem:s0+$0xFFFFFFC0];
	[tilespmem:s5+$0x40] =	vst v4  }
0xa8: {  	v14 =	vand.u32 $0xFFFFFF00, v14;
	v3 =	vand.u32 $0xFFFFFF00, v3;
	v4 =	vld [tilespmem:s0+$0x0];
	v19 =	vand.u32 $0x7F, v7;
	[tilespmem:s5+$0x10] =	vst v5;
	s5 =	smov.u32 s2  }
0xa9: {  	v20 =	vand.u32 $0x7F, v0;
	v12 =	vor.u32 v12, v17;
	v14 =	vor.u32 v2, v14;
	v5 =	vld [tilespmem:s0+$0xFFFFFF90]  }
0xaa: {  	v2 =	vshll.u32 v7, $0x1;
	v3 =	vor.u32 v20, v3;
	[tilespmem:s2+$0xFFFFFF80] =	vst v13;
	v13 =	vand.u32 $0xFFFFFF00, v8;
	v7 =	vld.idx.msk [tilespmem:v11+s13+$0x0], $0xffff  }
0xab: {  	v2 =	vand.u32 $0xFFFFFF00, v2;
	v8 =	vld.idx.msk [tilespmem:v10+s13+$0x0], $0xffff;
	v10 =	vor.u32 v16, v13;
	[tilespmem:s2+$0xFFFFFFF0] =	vst v6;
	v0 =	vmov v9  }
0xac: {  	v9 =	vor.u32 v19, v2;
	v11 =	vld.idx.msk [tilespmem:v15+s13+$0x0], $0xffff  }
0xad: {  	v2 =	vld [tilespmem:s0+$0xFFFFFFE0];
	v6 =	vand.u32 $0x7F, v4;
	v4 =	vshll.u32 v4, $0x1  }
0xae: {  	v13 =	vshll.u32 v5, $0x1;
	v4 =	vand.u32 $0xFFFFFF00, v4;
	v15 =	vld.idx.msk [tilespmem:v14+s13+$0x0], $0xffff  }
0xaf: {  	v13 =	vand.u32 $0xFFFFFF00, v13;
	v6 =	vor.u32 v6, v4;
	v4 =	vld.idx.msk [tilespmem:v3+s13+$0x0], $0xffff  }
0xb0: {  	v14 =	vor.u32 $0x80, v14;
	v16 =	vld.idx.msk [tilespmem:v12+s13+$0x0], $0xffff;
	[tilespmem:s2+$0xFFFFFFE0] =	vst v7  }
0xb1: {  	v3 =	vor.u32 $0x80, v3;
	[tilespmem:s2+$0x0] =	vst v8;
	v7 =	vld.idx.msk [tilespmem:v10+s13+$0x0], $0xffff  }
0xb2: {  	v8 =	vor.u32 $0x80, v12;
	v12 =	vld.idx.msk [tilespmem:v18+s13+$0x0], $0xffff;
	[tilespmem:s2+$0x70] =	vst v11  }
0xb3: {  	v11 =	vld.idx.msk [tilespmem:v9+s13+$0x0], $0xffff  }
0xb4: {  	v19 =	vor.u32 $0x80, v10;
	v18 =	vor.u32 $0x80, v9;
	v17 =	vld [tilespmem:s0+$0xFFFFFFF0];
	[tilespmem:s2+$0xFFFFFFD0] =	vst v15  }
0xb5: {  	[tilespmem:s2+$0xFFFFFFA0] =	vst v4;
	v14 =	vld.idx.msk [tilespmem:v14+s13+$0x0], $0xffff  }
0xb6: {  	v4 =	vand.u32 $0x7F, v5;
	v3 =	vld.idx.msk [tilespmem:v3+s13+$0x0], $0xffff;
	[tilespmem:s2+$0xFFFFFFB0] =	vst v16  }
.Ltmp1:
0xb7: {  	v10 =	vor.u32 v4, v13;
	v9 =	vld.idx.msk [tilespmem:v8+s13+$0x0], $0xffff;
	[tilespmem:s2+$0xFFFFFFC0] =	vst v7;
	(pc) =	sbr.rel @p0 .LBB2_6-.Ltmp1, $4  }
0xb8: {  	v8 =	vld [tilespmem:s0+$0xFFFFFFD0];
	[tilespmem:s2+$0x60] =	vst v12  }
0xb9: {  	v5 =	vshll.u32 v17, $0x1;
	[tilespmem:s2+$0xFFFFFF90] =	vst v11;
	v4 =	vld.idx.msk [tilespmem:v19+s13+$0x0], $0xffff  }
0xba: {  	v11 =	vand.u32 $0xFFFFFF00, v5;
	v5 =	vld.idx.msk [tilespmem:v18+s13+$0x0], $0xffff  }
0xbb: {  	v12 =	vand.u32 $0x7F, v17;
	v7 =	vld [tilespmem:s0+$0xFFFFFFA0];
	[tilespmem:s2+$0x50] =	vst v14  }
0xbc: {  	_ =	sdelay $0x2  }
0xbd: {  	v13 =	vor.u32 $0x80, v10  }
0xbe: {  	v44 =	vld.idx.msk [tilespmem:v10+s13+$0x0], $0xffff;
	v14 =	vshll.u32 v2, $0x1;
	v15 =	vor.u32 $0x80, v6;
	v11 =	vor.u32 v12, v11  }
0xbf: {  	v46 =	vand.u32 $0x7F, v2;
	v47 =	vld.idx.msk [tilespmem:v6+s13+$0x0], $0xffff;
	v16 =	vand.u32 $0x7F, v1;
	v48 =	vshll.u32 v1, $0x1  }
0xc0: {  	v49 =	vshll.u32 v0, $0x1;
	v52 =	vand.u32 $0x7F, v0;
	v14 =	vand.u32 $0xFFFFFF00, v14  }
0xc1: {  	v45 =	vand.u32 $0x7F, v8;
	v1 =	vand.u32 $0xFFFFFF00, v48;
	v2 =	vor.u32 v46, v14  }
0xc2: {  	s0 =	sadd.s32 $0x100, s2;
	[tilespmem:s5+$0x30] =	vst v9;
	v50 =	vshll.u32 v8, $0x1;
	v51 =	vand.u32 $0xFFFFFF00, v49;
	v1 =	vor.u32 v16, v1  }
0xc3: {  	v0 =	vor.u32 v52, v51;
	v8 =	vand.u32 $0xFFFFFF00, v50;
	v53 =	vshll.u32 v7, $0x1;
	[tilespmem:s0+$0xFFFFFF80] =	vst v44;
	v54 =	vld.idx.msk [tilespmem:v11+s13+$0x0], $0xffff  }
0xc4: {  	v8 =	vor.u32 v45, v8;
	v55 =	vand.u32 $0x7F, v7;
	v10 =	vand.u32 $0xFFFFFF00, v53;
	[tilespmem:s0+$0xFFFFFFF0] =	vst v47;
	v13 =	vld.idx.msk [tilespmem:v13+s13+$0x0], $0xffff  }
0xc5: {  	[tilespmem:s5+$0x20] =	vst v3;
	v56 =	vor.u32 v55, v10;
	v6 =	vld.idx.msk [tilespmem:v15+s13+$0x0], $0xffff  }
0xc6: {  	v57 =	vor.u32 $0x80, v11;
	[tilespmem:s5+$0x40] =	vst v4;
	v58 =	vld.idx.msk [tilespmem:v2+s13+$0x0], $0xffff  }
0xc7: {  	[tilespmem:s5+$0x10] =	vst v5;
	v59 =	vld.idx.msk [tilespmem:v1+s13+$0x0], $0xffff;
	v2 =	vor.u32 $0x80, v2  }
0xc8: {  	v60 =	vld.idx.msk [tilespmem:v0+s13+$0x0], $0xffff;
	v1 =	vor.u32 $0x80, v1;
	[tilespmem:s0+$0xFFFFFFE0] =	vst v54  }
0xc9: {  	v0 =	vor.u32 $0x80, v0;
	v61 =	vld.idx.msk [tilespmem:v8+s13+$0x0], $0xffff;
	[tilespmem:s0+$0x0] =	vst v13  }
0xca: {  	v8 =	vor.u32 $0x80, v8;
	[tilespmem:s0+$0x70] =	vst v6;
	v62 =	vld.idx.msk [tilespmem:v56+s13+$0x0], $0xffff  }
0xcb: {  	v3 =	vor.u32 $0x80, v56;
	v7 =	vld.idx.msk [tilespmem:v57+s13+$0x0], $0xffff;
	[tilespmem:s0+$0xFFFFFFD0] =	vst v58  }
0xcc: {  	[tilespmem:s0+$0xFFFFFFB0] =	vst v59;
	v2 =	vld.idx.msk [tilespmem:v2+s13+$0x0], $0xffff  }
0xcd: {  	[tilespmem:s0+$0xFFFFFFA0] =	vst v60;
	v1 =	vld.idx.msk [tilespmem:v1+s13+$0x0], $0xffff  }
0xce: {  	v0 =	vld.idx.msk [tilespmem:v0+s13+$0x0], $0xffff;
	[tilespmem:s0+$0xFFFFFFC0] =	vst v61  }
0xcf: {  	v63 =	vld.idx.msk [tilespmem:v8+s13+$0x0], $0xffff;
	[tilespmem:s0+$0xFFFFFF90] =	vst v62  }
0xd0: {  	[tilespmem:s0+$0x60] =	vst v7;
	v3 =	vld.idx.msk [tilespmem:v3+s13+$0x0], $0xffff  }
0xd1: {  	s1 =	smul.u32 $0x1B0000, s1;
	[tilespmem:s0+$0x50] =	vst v2  }
0xd2: {  	s29 =	sadd.s32 $0x1, s29;
	[tilespmem:s0+$0x30] =	vst v1  }
0xd3: {  	p0 =	sne.s32 s29, $0x10;
	s1 =	sadd.s32 s28, s1;
	[tilespmem:s0+$0x20] =	vst v0  }
.Ltmp2:
0xd4: {  	s1 =	sshrl.u32 s1, $0x3;
	[tilespmem:s0+$0x40] =	vst v63;
	(pc) =	sbr.rel @p0 .LBB2_3-.Ltmp2, $4  }
0xd5: {  	s7 =	sadd.s32 s4, s1;
	[tilespmem:s0+$0x10] =	vst v3  }
0xd6: {  	[hbm4b:s7+s11] =	stream.strided.scatter [tilespmem:s19], [sflag:$0x4], $0x400, s12, s11, $0x38;
	[tilespmem:$0x1FC00] =	vst v63  }
0xd7: {  	s30 =	sadd.s32 $0x800, s30;
	s31 =	sadd.s32 $0x800, s31;
	s0 =	sadd.s32 $0x1B000, s7  }
0xd8: {  	[hbm4b:s0+s11] =	stream.strided.scatter [tilespmem:s20], [sflag:$0x4], $0x400, s12, s11, $0x38;
	[tilespmem:$0x1FC00] =	vst v63  }
0xd9: {  	s0 =	sadd.s32 s26, s8  }
0xda: {  	s1 =	sadd.s32 $0x2, s0  }
0xdb: {  	s2 =	sshrl.u32 s1, $0x3  }
0xdc: {  	s1 =	sshll.u32 s1, $0x7;
	s2 =	smul.u32 $0x2D800, s2  }
0xdd: {  	s1 =	sand.u32 $0x300, s1  }
0xde: {  	_ =	swait.ge [sflag:s21], $0xB600;
	s1 =	sor.u32 s1, s2  }
0xdf: {  	[sflag:s21] =	ssyncset.done $0x0;
	s31 =	sshll.u32 s0, $0x9;
	s1 =	sshrl.u32 s1, $0x3  }
0xe0: {  	s0 =	sshll.u32 s0, $0x7;
	[sflag:s21] =	ssyncadd.s32 $0xFFFF4A00;
	s1 =	sadd.s32 s3, s1  }
0xe1: {  	[tilespmem:s13], [sflag:$0x1] =	stream.strided.gather [hbm4b:s1+s11], $0xB600, s12, s11, $0x38;
	[tilespmem:$0x1FC00] =	vst v63  }
0xe2: {  	s28 =	simm.s32 $0x0;
	s0 =	sand.u32 $0x300, s0;
	s1 =	sand.u32 $0x7FFFF000, s31  }
0xe3: {  	s29 =	simm.s32 $0x40;
	s30 =	simm.s32 $0x470;
	s26 =	sor.u32 s0, s1  }
.LBB2_9:
0xe4: {  	_ =	swait.ge [sflag:s22], $0x800  }
0xe5: {  	[sflag:s22] =	ssyncset.done $0x0  }
0xe6: {  	[sflag:s22] =	ssyncadd.s32 $0xFFFFF800  }
0xe7: {  	v0 =	vld [tilespmem:s29+$0xFFFFFFC0]  }
0xe8: {  	v1 =	vld [tilespmem:s29+$0x30];
	_ =	sdelay $0x3  }
0xe9: {  	v4 =	vld [tilespmem:s29+$0x20];
	v2 =	vshll.u32 v0, $0x1  }
0xea: {  	v5 =	vld [tilespmem:s29+$0xFFFFFFE0];
	v3 =	vshll.u32 v1, $0x1;
	v0 =	vand.u32 $0x7F, v0;
	v2 =	vand.u32 $0xFFFFFF00, v2  }
0xeb: {  	v1 =	vand.u32 $0x7F, v1;
	v3 =	vand.u32 $0xFFFFFF00, v3;
	v0 =	vor.u32 v0, v2  }
0xec: {  	v6 =	vld [tilespmem:s29+$0x0];
	v1 =	vor.u32 v1, v3  }
0xed: {  	v3 =	vld [tilespmem:s29+$0x10]  }
0xee: {  	v7 =	vshll.u32 v4, $0x1;
	v2 =	vld [tilespmem:s29+$0xFFFFFFF0]  }
0xef: {  	v8 =	vld [tilespmem:s29+$0xFFFFFFD0];
	v4 =	vand.u32 $0x7F, v4;
	v14 =	vshll.u32 v5, $0x1;
	v7 =	vand.u32 $0xFFFFFF00, v7  }
0xf0: {  	v5 =	vand.u32 $0x7F, v5;
	v14 =	vand.u32 $0xFFFFFF00, v14;
	v4 =	vor.u32 v4, v7;
	v9 =	vld.idx.msk [tilespmem:v0+s16+$0x0], $0xffff  }
0xf1: {  	s0 =	sadd.s32 $0x80, s29;
	v5 =	vor.u32 v5, v14;
	v10 =	vor.u32 $0x80, v0;
	v7 =	vld.idx.msk [tilespmem:v1+s16+$0x0], $0xffff  }
0xf2: {  	v15 =	vld [tilespmem:s0+$0x30];
	v12 =	vor.u32 $0x80, v1;
	v11 =	vshll.u32 v3, $0x1;
	v3 =	vand.u32 $0x7F, v3  }
0xf3: {  	v16 =	vld [tilespmem:s0+$0xFFFFFFC0];
	v13 =	vand.u32 $0x7F, v2;
	v2 =	vshll.u32 v2, $0x1;
	v11 =	vand.u32 $0xFFFFFF00, v11  }
0xf4: {  	s2 =	simm.s32 $0x1EC80;
	v18 =	vld [tilespmem:s0+$0x20];
	v2 =	vand.u32 $0xFFFFFF00, v2;
	v3 =	vor.u32 v3, v11;
	v11 =	vshll.u32 v6, $0x1  }
0xf5: {  	v6 =	vand.u32 $0x7F, v6;
	v13 =	vor.u32 v13, v2;
	v2 =	vand.u32 $0xFFFFFF00, v11;
	[tilespmem:s2+$0xFFFFFF80] =	vst v9;
	v9 =	vld.idx.msk [tilespmem:v4+s16+$0x0], $0xffff  }
0xf6: {  	v6 =	vor.u32 v6, v2;
	[tilespmem:s2+$0xFFFFFFF0] =	vst v7;
	v7 =	vshll.u32 v8, $0x1;
	v10 =	vld.idx.msk [tilespmem:v10+s16+$0x0], $0xffff  }
0xf7: {  	v4 =	vor.u32 $0x80, v4;
	v8 =	vand.u32 $0x7F, v8;
	v11 =	vld.idx.msk [tilespmem:v12+s16+$0x0], $0xffff;
	v7 =	vand.u32 $0xFFFFFF00, v7  }
0xf8: {  	v12 =	vld.idx.msk [tilespmem:v5+s16+$0x0], $0xffff;
	v7 =	vor.u32 v8, v7  }
0xf9: {  	v8 =	vld.idx.msk [tilespmem:v3+s16+$0x0], $0xffff  }
0xfa: {  	v14 =	vld.idx.msk [tilespmem:v13+s16+$0x0], $0xffff;
	v3 =	vor.u32 $0x80, v3  }
0xfb: {  	v5 =	vor.u32 $0x80, v5;
	v17 =	vld.idx.msk [tilespmem:v6+s16+$0x0], $0xffff;
	[tilespmem:s2+$0xFFFFFFE0] =	vst v9  }
0xfc: {  	v9 =	vor.u32 $0x80, v13;
	v13 =	vld.idx.msk [tilespmem:v4+s16+$0x0], $0xffff  }
0xfd: {  	v6 =	vor.u32 $0x80, v6;
	[tilespmem:s2+$0x0] =	vst v10;
	v4 =	vld.idx.msk [tilespmem:v7+s16+$0x0], $0xffff  }
0xfe: {  	v0 =	vld [tilespmem:s0+$0xFFFFFFE0];
	[tilespmem:s2+$0xFFFFFFD0] =	vst v8  }
0xff: {  	[tilespmem:s2+$0xFFFFFFA0] =	vst v12;
	v19 =	vld.idx.msk [tilespmem:v3+s16+$0x0], $0xffff  }
0x100: {  	[tilespmem:s2+$0x70] =	vst v11;
	v10 =	vshll.u32 v16, $0x1;
	v3 =	vld.idx.msk [tilespmem:v5+s16+$0x0], $0xffff;
	v5 =	vshll.u32 v15, $0x1  }
0x101: {  	v2 =	vld [tilespmem:s0+$0x10];
	v11 =	vand.u32 $0x7F, v15;
	v7 =	vor.u32 $0x80, v7;
	[tilespmem:s2+$0xFFFFFFC0] =	vst v17;
	v5 =	vand.u32 $0xFFFFFF00, v5  }
0x102: {  	v10 =	vand.u32 $0xFFFFFF00, v10;
	[tilespmem:s2+$0xFFFFFF90] =	vst v4;
	v4 =	vld.idx.msk [tilespmem:v6+s16+$0x0], $0xffff;
	v6 =	vor.u32 v11, v5;
	v11 =	vand.u32 $0x7F, v16  }
0x103: {  	[tilespmem:s2+$0xFFFFFFB0] =	vst v14;
	v8 =	vld [tilespmem:s0+$0x0];
	v10 =	vor.u32 v11, v10  }
0x104: {  	v9 =	vld.idx.msk [tilespmem:v9+s16+$0x0], $0xffff  }
0x105: {  	v1 =	vld [tilespmem:s0+$0xFFFFFFF0]  }
0x106: {  	v12 =	vshll.u32 v18, $0x1;
	[tilespmem:s2+$0x60] =	vst v13;
	v5 =	vld.idx.msk [tilespmem:v7+s16+$0x0], $0xffff  }
0x107: {  	s5 =	simm.s32 $0x8;
	s1 =	simm.s32 $0x1EC80;
	v11 =	vand.u32 $0xFFFFFF00, v12;
	v7 =	vld [tilespmem:s0+$0xFFFFFFD0];
	v12 =	vand.u32 $0x7F, v18;
	[tilespmem:s2+$0x50] =	vst v19  }
.LBB2_10:
0x108: {  	s5 =	sadd.s32 $0x8, s5;
	v13 =	vld.idx.msk [tilespmem:v10+s16+$0x0], $0xffff;
	v10 =	vor.u32 $0x80, v10;
	v14 =	vshll.u32 v2, $0x1;
	v15 =	vor.u32 $0x80, v6;
	s2 =	sadd.s32 $0x100, s2  }
0x109: {  	v2 =	vand.u32 $0x7F, v2;
	v11 =	vor.u32 v12, v11;
	s0 =	sadd.s32 $0x80, s0;
	p0 =	slt.u32 s5, $0x38;
	v16 =	vand.u32 $0x7F, v8;
	v6 =	vld.idx.msk [tilespmem:v6+s16+$0x0], $0xffff;
	[tilespmem:s1+$0x30] =	vst v9  }
0x10a: {  	v12 =	vand.u32 $0x7F, v1;
	v17 =	vshll.u32 v1, $0x1;
	v18 =	vor.u32 $0x80, v11;
	v9 =	vld [tilespmem:s0+$0xFFFFFFE0];
	[tilespmem:s1+$0x20] =	vst v3  }
0x10b: {  	v17 =	vand.u32 $0xFFFFFF00, v17;
	v8 =	vshll.u32 v8, $0x1;
	v3 =	vshll.u32 v0, $0x1;
	v1 =	vld [tilespmem:s0+$0xFFFFFFF0];
	[tilespmem:s1+$0x40] =	vst v4  }
0x10c: {  	v14 =	vand.u32 $0xFFFFFF00, v14;
	v3 =	vand.u32 $0xFFFFFF00, v3;
	v4 =	vld [tilespmem:s0+$0x30];
	v19 =	vand.u32 $0x7F, v7;
	[tilespmem:s1+$0x10] =	vst v5;
	s1 =	smov.u32 s2  }
0x10d: {  	v20 =	vand.u32 $0x7F, v0;
	v12 =	vor.u32 v12, v17;
	v14 =	vor.u32 v2, v14;
	v5 =	vld [tilespmem:s0+$0xFFFFFFC0]  }
0x10e: {  	v2 =	vshll.u32 v7, $0x1;
	v3 =	vor.u32 v20, v3;
	[tilespmem:s2+$0xFFFFFF80] =	vst v13;
	v13 =	vand.u32 $0xFFFFFF00, v8;
	v7 =	vld.idx.msk [tilespmem:v11+s16+$0x0], $0xffff  }
0x10f: {  	v2 =	vand.u32 $0xFFFFFF00, v2;
	v8 =	vld.idx.msk [tilespmem:v10+s16+$0x0], $0xffff;
	v10 =	vor.u32 v16, v13;
	[tilespmem:s2+$0xFFFFFFF0] =	vst v6;
	v0 =	vmov v9  }
0x110: {  	v9 =	vor.u32 v19, v2;
	v11 =	vld.idx.msk [tilespmem:v15+s16+$0x0], $0xffff  }
0x111: {  	v2 =	vld [tilespmem:s0+$0x10];
	v6 =	vand.u32 $0x7F, v4;
	v4 =	vshll.u32 v4, $0x1  }
0x112: {  	v13 =	vshll.u32 v5, $0x1;
	v4 =	vand.u32 $0xFFFFFF00, v4;
	v15 =	vld.idx.msk [tilespmem:v14+s16+$0x0], $0xffff  }
0x113: {  	v13 =	vand.u32 $0xFFFFFF00, v13;
	v6 =	vor.u32 v6, v4;
	v4 =	vld.idx.msk [tilespmem:v3+s16+$0x0], $0xffff  }
0x114: {  	v14 =	vor.u32 $0x80, v14;
	v16 =	vld.idx.msk [tilespmem:v12+s16+$0x0], $0xffff;
	[tilespmem:s2+$0xFFFFFFE0] =	vst v7  }
0x115: {  	v3 =	vor.u32 $0x80, v3;
	[tilespmem:s2+$0x0] =	vst v8;
	v7 =	vld.idx.msk [tilespmem:v10+s16+$0x0], $0xffff  }
0x116: {  	v8 =	vor.u32 $0x80, v12;
	v12 =	vld.idx.msk [tilespmem:v18+s16+$0x0], $0xffff;
	[tilespmem:s2+$0x70] =	vst v11  }
0x117: {  	v11 =	vld.idx.msk [tilespmem:v9+s16+$0x0], $0xffff  }
0x118: {  	v19 =	vor.u32 $0x80, v10;
	v18 =	vor.u32 $0x80, v9;
	v17 =	vld [tilespmem:s0+$0x20];
	[tilespmem:s2+$0xFFFFFFD0] =	vst v15  }
0x119: {  	[tilespmem:s2+$0xFFFFFFA0] =	vst v4;
	v14 =	vld.idx.msk [tilespmem:v14+s16+$0x0], $0xffff  }
0x11a: {  	v4 =	vand.u32 $0x7F, v5;
	v3 =	vld.idx.msk [tilespmem:v3+s16+$0x0], $0xffff;
	[tilespmem:s2+$0xFFFFFFB0] =	vst v16  }
.Ltmp3:
0x11b: {  	v10 =	vor.u32 v4, v13;
	v9 =	vld.idx.msk [tilespmem:v8+s16+$0x0], $0xffff;
	[tilespmem:s2+$0xFFFFFFC0] =	vst v7;
	(pc) =	sbr.rel @p0 .LBB2_10-.Ltmp3, $4  }
0x11c: {  	v8 =	vld [tilespmem:s0+$0x0];
	[tilespmem:s2+$0x60] =	vst v12  }
0x11d: {  	v5 =	vshll.u32 v17, $0x1;
	[tilespmem:s2+$0xFFFFFF90] =	vst v11;
	v4 =	vld.idx.msk [tilespmem:v19+s16+$0x0], $0xffff  }
0x11e: {  	v11 =	vand.u32 $0xFFFFFF00, v5;
	v5 =	vld.idx.msk [tilespmem:v18+s16+$0x0], $0xffff  }
0x11f: {  	v12 =	vand.u32 $0x7F, v17;
	v7 =	vld [tilespmem:s0+$0xFFFFFFD0];
	[tilespmem:s2+$0x50] =	vst v14  }
0x120: {  	_ =	sdelay $0x2  }
0x121: {  	v13 =	vor.u32 $0x80, v10  }
0x122: {  	v10 =	vld.idx.msk [tilespmem:v10+s16+$0x0], $0xffff;
	v14 =	vshll.u32 v2, $0x1;
	v15 =	vor.u32 $0x80, v6;
	v11 =	vor.u32 v12, v11  }
0x123: {  	v2 =	vand.u32 $0x7F, v2;
	v6 =	vld.idx.msk [tilespmem:v6+s16+$0x0], $0xffff;
	v16 =	vand.u32 $0x7F, v1;
	v1 =	vshll.u32 v1, $0x1  }
0x124: {  	v17 =	vshll.u32 v0, $0x1;
	v0 =	vand.u32 $0x7F, v0;
	v14 =	vand.u32 $0xFFFFFF00, v14  }
0x125: {  	v12 =	vand.u32 $0x7F, v8;
	v1 =	vand.u32 $0xFFFFFF00, v1;
	v2 =	vor.u32 v2, v14  }
0x126: {  	s0 =	sadd.s32 $0x100, s2;
	[tilespmem:s1+$0x30] =	vst v9;
	v8 =	vshll.u32 v8, $0x1;
	v9 =	vand.u32 $0xFFFFFF00, v17;
	v1 =	vor.u32 v16, v1  }
0x127: {  	v0 =	vor.u32 v0, v9;
	v8 =	vand.u32 $0xFFFFFF00, v8;
	[tilespmem:s0+$0xFFFFFF80] =	vst v10;
	v10 =	vshll.u32 v7, $0x1;
	v9 =	vld.idx.msk [tilespmem:v11+s16+$0x0], $0xffff  }
0x128: {  	v8 =	vor.u32 v12, v8;
	v7 =	vand.u32 $0x7F, v7;
	[tilespmem:s0+$0xFFFFFFF0] =	vst v6;
	v13 =	vld.idx.msk [tilespmem:v13+s16+$0x0], $0xffff;
	v10 =	vand.u32 $0xFFFFFF00, v10  }
0x129: {  	[tilespmem:s1+$0x20] =	vst v3;
	v6 =	vld.idx.msk [tilespmem:v15+s16+$0x0], $0xffff;
	v3 =	vor.u32 v7, v10  }
0x12a: {  	[tilespmem:s1+$0x40] =	vst v4;
	v7 =	vor.u32 $0x80, v11;
	v4 =	vld.idx.msk [tilespmem:v2+s16+$0x0], $0xffff  }
0x12b: {  	[tilespmem:s1+$0x10] =	vst v5;
	v5 =	vld.idx.msk [tilespmem:v1+s16+$0x0], $0xffff;
	v2 =	vor.u32 $0x80, v2  }
0x12c: {  	v10 =	vld.idx.msk [tilespmem:v0+s16+$0x0], $0xffff;
	v1 =	vor.u32 $0x80, v1;
	[tilespmem:s0+$0xFFFFFFE0] =	vst v9  }
0x12d: {  	v0 =	vor.u32 $0x80, v0;
	v9 =	vld.idx.msk [tilespmem:v8+s16+$0x0], $0xffff;
	[tilespmem:s0+$0x0] =	vst v13  }
0x12e: {  	v8 =	vor.u32 $0x80, v8;
	[tilespmem:s0+$0x70] =	vst v6;
	v6 =	vld.idx.msk [tilespmem:v3+s16+$0x0], $0xffff  }
0x12f: {  	v7 =	vld.idx.msk [tilespmem:v7+s16+$0x0], $0xffff;
	v3 =	vor.u32 $0x80, v3;
	[tilespmem:s0+$0xFFFFFFD0] =	vst v4  }
0x130: {  	[tilespmem:s0+$0xFFFFFFB0] =	vst v5;
	v2 =	vld.idx.msk [tilespmem:v2+s16+$0x0], $0xffff  }
0x131: {  	[tilespmem:s0+$0xFFFFFFA0] =	vst v10;
	v1 =	vld.idx.msk [tilespmem:v1+s16+$0x0], $0xffff  }
0x132: {  	v0 =	vld.idx.msk [tilespmem:v0+s16+$0x0], $0xffff;
	[tilespmem:s0+$0xFFFFFFC0] =	vst v9  }
0x133: {  	v4 =	vld.idx.msk [tilespmem:v8+s16+$0x0], $0xffff;
	[tilespmem:s0+$0xFFFFFF90] =	vst v6  }
0x134: {  	[tilespmem:s0+$0x60] =	vst v7;
	v3 =	vld.idx.msk [tilespmem:v3+s16+$0x0], $0xffff  }
0x135: {  	s7 =	smul.u32 $0x360000, s28;
	[tilespmem:s0+$0x50] =	vst v2  }
0x136: {  	[tilespmem:s0+$0x30] =	vst v1  }
0x137: {  	s1 =	sadd.s32 s26, s7;
	[tilespmem:s0+$0x20] =	vst v0  }
0x138: {  	s1 =	sshrl.u32 s1, $0x3;
	[tilespmem:s0+$0x40] =	vst v4  }
0x139: {  	s31 =	sadd.s32 s4, s1;
	[tilespmem:s0+$0x10] =	vst v3  }
0x13a: {  	[hbm4b:s31+s11] =	stream.strided.scatter [tilespmem:s17], [sflag:$0x3], $0x400, s12, s11, $0x38;
	[tilespmem:$0x1FC00] =	vst v63  }
0x13b: {  	s0 =	sadd.s32 $0x1B000, s31  }
0x13c: {  	[hbm4b:s0+s11] =	stream.strided.scatter [tilespmem:s18], [sflag:$0x3], $0x400, s12, s11, $0x38;
	[tilespmem:$0x1FC00] =	vst v63  }
0x13d: {  	_ =	swait.ge [sflag:s23], $0x800  }
0x13e: {  	[sflag:s23] =	ssyncset.done $0x0  }
0x13f: {  	[sflag:s23] =	ssyncadd.s32 $0xFFFFF800  }
0x140: {  	v0 =	vld [tilespmem:s30+$0xFFFFFF90]  }
0x141: {  	v1 =	vld [tilespmem:s30+$0x0];
	_ =	sdelay $0x3  }
0x142: {  	v4 =	vld [tilespmem:s30+$0xFFFFFFF0];
	v2 =	vshll.u32 v0, $0x1  }
0x143: {  	v5 =	vld [tilespmem:s30+$0xFFFFFFB0];
	v3 =	vshll.u32 v1, $0x1;
	v0 =	vand.u32 $0x7F, v0;
	v2 =	vand.u32 $0xFFFFFF00, v2  }
0x144: {  	v1 =	vand.u32 $0x7F, v1;
	v3 =	vand.u32 $0xFFFFFF00, v3;
	v0 =	vor.u32 v0, v2  }
0x145: {  	v6 =	vld [tilespmem:s30+$0xFFFFFFD0];
	v1 =	vor.u32 v1, v3  }
0x146: {  	v3 =	vld [tilespmem:s30+$0xFFFFFFE0]  }
0x147: {  	v7 =	vshll.u32 v4, $0x1;
	v2 =	vld [tilespmem:s30+$0xFFFFFFC0]  }
0x148: {  	v8 =	vld [tilespmem:s30+$0xFFFFFFA0];
	v4 =	vand.u32 $0x7F, v4;
	v14 =	vshll.u32 v5, $0x1;
	v7 =	vand.u32 $0xFFFFFF00, v7  }
0x149: {  	v5 =	vand.u32 $0x7F, v5;
	v14 =	vand.u32 $0xFFFFFF00, v14;
	v4 =	vor.u32 v4, v7;
	v9 =	vld.idx.msk [tilespmem:v0+s16+$0x0], $0xffff  }
0x14a: {  	s0 =	sadd.s32 $0x80, s30;
	v5 =	vor.u32 v5, v14;
	v10 =	vor.u32 $0x80, v0;
	v7 =	vld.idx.msk [tilespmem:v1+s16+$0x0], $0xffff  }
0x14b: {  	v15 =	vld [tilespmem:s0+$0x0];
	v12 =	vor.u32 $0x80, v1;
	v11 =	vshll.u32 v3, $0x1;
	v3 =	vand.u32 $0x7F, v3  }
0x14c: {  	v62 =	vld [tilespmem:s0+$0xFFFFFF90];
	v13 =	vand.u32 $0x7F, v2;
	v2 =	vshll.u32 v2, $0x1;
	v11 =	vand.u32 $0xFFFFFF00, v11  }
0x14d: {  	s2 =	simm.s32 $0x1F480;
	v18 =	vld [tilespmem:s0+$0xFFFFFFF0];
	v2 =	vand.u32 $0xFFFFFF00, v2;
	v3 =	vor.u32 v3, v11;
	v11 =	vshll.u32 v6, $0x1  }
0x14e: {  	v6 =	vand.u32 $0x7F, v6;
	v13 =	vor.u32 v13, v2;
	v2 =	vand.u32 $0xFFFFFF00, v11;
	[tilespmem:s2+$0xFFFFFF80] =	vst v9;
	v9 =	vld.idx.msk [tilespmem:v4+s16+$0x0], $0xffff  }
0x14f: {  	v6 =	vor.u32 v6, v2;
	[tilespmem:s2+$0xFFFFFFF0] =	vst v7;
	v7 =	vshll.u32 v8, $0x1;
	v10 =	vld.idx.msk [tilespmem:v10+s16+$0x0], $0xffff  }
0x150: {  	v4 =	vor.u32 $0x80, v4;
	v8 =	vand.u32 $0x7F, v8;
	v11 =	vld.idx.msk [tilespmem:v12+s16+$0x0], $0xffff;
	v7 =	vand.u32 $0xFFFFFF00, v7  }
0x151: {  	v12 =	vld.idx.msk [tilespmem:v5+s16+$0x0], $0xffff;
	v7 =	vor.u32 v8, v7  }
0x152: {  	v8 =	vld.idx.msk [tilespmem:v3+s16+$0x0], $0xffff  }
0x153: {  	v14 =	vld.idx.msk [tilespmem:v13+s16+$0x0], $0xffff;
	v3 =	vor.u32 $0x80, v3  }
0x154: {  	v5 =	vor.u32 $0x80, v5;
	v63 =	vld.idx.msk [tilespmem:v6+s16+$0x0], $0xffff;
	[tilespmem:s2+$0xFFFFFFE0] =	vst v9  }
0x155: {  	v9 =	vor.u32 $0x80, v13;
	v13 =	vld.idx.msk [tilespmem:v4+s16+$0x0], $0xffff  }
0x156: {  	v6 =	vor.u32 $0x80, v6;
	[tilespmem:s2+$0x0] =	vst v10;
	v4 =	vld.idx.msk [tilespmem:v7+s16+$0x0], $0xffff  }
0x157: {  	v0 =	vld [tilespmem:s0+$0xFFFFFFB0];
	[tilespmem:s2+$0xFFFFFFD0] =	vst v8  }
0x158: {  	[tilespmem:s2+$0xFFFFFFA0] =	vst v12;
	v19 =	vld.idx.msk [tilespmem:v3+s16+$0x0], $0xffff  }
0x159: {  	[tilespmem:s2+$0x70] =	vst v11;
	v10 =	vshll.u32 v62, $0x1;
	v3 =	vld.idx.msk [tilespmem:v5+s16+$0x0], $0xffff;
	v5 =	vshll.u32 v15, $0x1  }
0x15a: {  	v2 =	vld [tilespmem:s0+$0xFFFFFFE0];
	v11 =	vand.u32 $0x7F, v15;
	v7 =	vor.u32 $0x80, v7;
	[tilespmem:s2+$0xFFFFFFC0] =	vst v63;
	v5 =	vand.u32 $0xFFFFFF00, v5  }
0x15b: {  	v10 =	vand.u32 $0xFFFFFF00, v10;
	[tilespmem:s2+$0xFFFFFF90] =	vst v4;
	v4 =	vld.idx.msk [tilespmem:v6+s16+$0x0], $0xffff;
	v6 =	vor.u32 v11, v5;
	v11 =	vand.u32 $0x7F, v62  }
0x15c: {  	[tilespmem:s2+$0xFFFFFFB0] =	vst v14;
	v8 =	vld [tilespmem:s0+$0xFFFFFFD0];
	v10 =	vor.u32 v11, v10  }
0x15d: {  	v9 =	vld.idx.msk [tilespmem:v9+s16+$0x0], $0xffff  }
0x15e: {  	v1 =	vld [tilespmem:s0+$0xFFFFFFC0]  }
0x15f: {  	v12 =	vshll.u32 v18, $0x1;
	[tilespmem:s2+$0x60] =	vst v13;
	v5 =	vld.idx.msk [tilespmem:v7+s16+$0x0], $0xffff  }
0x160: {  	s5 =	simm.s32 $0x1F480;
	s7 =	simm.s32 $0x8;
	s1 =	sshllo.u32 s28, $0x1;
	v11 =	vand.u32 $0xFFFFFF00, v12;
	v7 =	vld [tilespmem:s0+$0xFFFFFFA0];
	v12 =	vand.u32 $0x7F, v18;
	[tilespmem:s2+$0x50] =	vst v19  }
.LBB2_12:
0x161: {  	s7 =	sadd.s32 $0x8, s7;
	v13 =	vld.idx.msk [tilespmem:v10+s16+$0x0], $0xffff;
	v10 =	vor.u32 $0x80, v10;
	v14 =	vshll.u32 v2, $0x1;
	v15 =	vor.u32 $0x80, v6;
	s2 =	sadd.s32 $0x100, s2  }
0x162: {  	v2 =	vand.u32 $0x7F, v2;
	v11 =	vor.u32 v12, v11;
	s0 =	sadd.s32 $0x80, s0;
	p0 =	slt.u32 s7, $0x38;
	v16 =	vand.u32 $0x7F, v8;
	v6 =	vld.idx.msk [tilespmem:v6+s16+$0x0], $0xffff;
	[tilespmem:s5+$0x30] =	vst v9  }
0x163: {  	v12 =	vand.u32 $0x7F, v1;
	v17 =	vshll.u32 v1, $0x1;
	v18 =	vor.u32 $0x80, v11;
	v9 =	vld [tilespmem:s0+$0xFFFFFFB0];
	[tilespmem:s5+$0x20] =	vst v3  }
0x164: {  	v17 =	vand.u32 $0xFFFFFF00, v17;
	v8 =	vshll.u32 v8, $0x1;
	v3 =	vshll.u32 v0, $0x1;
	v1 =	vld [tilespmem:s0+$0xFFFFFFC0];
	[tilespmem:s5+$0x40] =	vst v4  }
0x165: {  	v14 =	vand.u32 $0xFFFFFF00, v14;
	v3 =	vand.u32 $0xFFFFFF00, v3;
	v4 =	vld [tilespmem:s0+$0x0];
	v19 =	vand.u32 $0x7F, v7;
	[tilespmem:s5+$0x10] =	vst v5;
	s5 =	smov.u32 s2  }
0x166: {  	v20 =	vand.u32 $0x7F, v0;
	v12 =	vor.u32 v12, v17;
	v14 =	vor.u32 v2, v14;
	v5 =	vld [tilespmem:s0+$0xFFFFFF90]  }
0x167: {  	v2 =	vshll.u32 v7, $0x1;
	v3 =	vor.u32 v20, v3;
	[tilespmem:s2+$0xFFFFFF80] =	vst v13;
	v13 =	vand.u32 $0xFFFFFF00, v8;
	v7 =	vld.idx.msk [tilespmem:v11+s16+$0x0], $0xffff  }
0x168: {  	v2 =	vand.u32 $0xFFFFFF00, v2;
	v8 =	vld.idx.msk [tilespmem:v10+s16+$0x0], $0xffff;
	v10 =	vor.u32 v16, v13;
	[tilespmem:s2+$0xFFFFFFF0] =	vst v6;
	v0 =	vmov v9  }
0x169: {  	v9 =	vor.u32 v19, v2;
	v11 =	vld.idx.msk [tilespmem:v15+s16+$0x0], $0xffff  }
0x16a: {  	v2 =	vld [tilespmem:s0+$0xFFFFFFE0];
	v6 =	vand.u32 $0x7F, v4;
	v4 =	vshll.u32 v4, $0x1  }
0x16b: {  	v13 =	vshll.u32 v5, $0x1;
	v4 =	vand.u32 $0xFFFFFF00, v4;
	v15 =	vld.idx.msk [tilespmem:v14+s16+$0x0], $0xffff  }
0x16c: {  	v13 =	vand.u32 $0xFFFFFF00, v13;
	v6 =	vor.u32 v6, v4;
	v4 =	vld.idx.msk [tilespmem:v3+s16+$0x0], $0xffff  }
0x16d: {  	v14 =	vor.u32 $0x80, v14;
	v16 =	vld.idx.msk [tilespmem:v12+s16+$0x0], $0xffff;
	[tilespmem:s2+$0xFFFFFFE0] =	vst v7  }
0x16e: {  	v3 =	vor.u32 $0x80, v3;
	[tilespmem:s2+$0x0] =	vst v8;
	v7 =	vld.idx.msk [tilespmem:v10+s16+$0x0], $0xffff  }
0x16f: {  	v8 =	vor.u32 $0x80, v12;
	v12 =	vld.idx.msk [tilespmem:v18+s16+$0x0], $0xffff;
	[tilespmem:s2+$0x70] =	vst v11  }
0x170: {  	v11 =	vld.idx.msk [tilespmem:v9+s16+$0x0], $0xffff  }
0x171: {  	v19 =	vor.u32 $0x80, v10;
	v18 =	vor.u32 $0x80, v9;
	v17 =	vld [tilespmem:s0+$0xFFFFFFF0];
	[tilespmem:s2+$0xFFFFFFD0] =	vst v15  }
0x172: {  	[tilespmem:s2+$0xFFFFFFA0] =	vst v4;
	v14 =	vld.idx.msk [tilespmem:v14+s16+$0x0], $0xffff  }
0x173: {  	v4 =	vand.u32 $0x7F, v5;
	v3 =	vld.idx.msk [tilespmem:v3+s16+$0x0], $0xffff;
	[tilespmem:s2+$0xFFFFFFB0] =	vst v16  }
.Ltmp4:
0x174: {  	v10 =	vor.u32 v4, v13;
	v9 =	vld.idx.msk [tilespmem:v8+s16+$0x0], $0xffff;
	[tilespmem:s2+$0xFFFFFFC0] =	vst v7;
	(pc) =	sbr.rel @p0 .LBB2_12-.Ltmp4, $4  }
0x175: {  	v8 =	vld [tilespmem:s0+$0xFFFFFFD0];
	[tilespmem:s2+$0x60] =	vst v12  }
0x176: {  	v5 =	vshll.u32 v17, $0x1;
	[tilespmem:s2+$0xFFFFFF90] =	vst v11;
	v4 =	vld.idx.msk [tilespmem:v19+s16+$0x0], $0xffff  }
0x177: {  	v11 =	vand.u32 $0xFFFFFF00, v5;
	v5 =	vld.idx.msk [tilespmem:v18+s16+$0x0], $0xffff  }
0x178: {  	v12 =	vand.u32 $0x7F, v17;
	v7 =	vld [tilespmem:s0+$0xFFFFFFA0];
	[tilespmem:s2+$0x50] =	vst v14  }
0x179: {  	_ =	sdelay $0x2  }
0x17a: {  	v13 =	vor.u32 $0x80, v10  }
0x17b: {  	v44 =	vld.idx.msk [tilespmem:v10+s16+$0x0], $0xffff;
	v14 =	vshll.u32 v2, $0x1;
	v15 =	vor.u32 $0x80, v6;
	v11 =	vor.u32 v12, v11  }
0x17c: {  	v46 =	vand.u32 $0x7F, v2;
	v47 =	vld.idx.msk [tilespmem:v6+s16+$0x0], $0xffff;
	v16 =	vand.u32 $0x7F, v1;
	v48 =	vshll.u32 v1, $0x1  }
0x17d: {  	v49 =	vshll.u32 v0, $0x1;
	v52 =	vand.u32 $0x7F, v0;
	v14 =	vand.u32 $0xFFFFFF00, v14  }
0x17e: {  	v45 =	vand.u32 $0x7F, v8;
	v1 =	vand.u32 $0xFFFFFF00, v48;
	v2 =	vor.u32 v46, v14  }
0x17f: {  	s0 =	sadd.s32 $0x100, s2;
	[tilespmem:s5+$0x30] =	vst v9;
	v50 =	vshll.u32 v8, $0x1;
	v51 =	vand.u32 $0xFFFFFF00, v49;
	v1 =	vor.u32 v16, v1  }
0x180: {  	v0 =	vor.u32 v52, v51;
	v8 =	vand.u32 $0xFFFFFF00, v50;
	v53 =	vshll.u32 v7, $0x1;
	[tilespmem:s0+$0xFFFFFF80] =	vst v44;
	v54 =	vld.idx.msk [tilespmem:v11+s16+$0x0], $0xffff  }
0x181: {  	v8 =	vor.u32 v45, v8;
	v55 =	vand.u32 $0x7F, v7;
	v10 =	vand.u32 $0xFFFFFF00, v53;
	[tilespmem:s0+$0xFFFFFFF0] =	vst v47;
	v13 =	vld.idx.msk [tilespmem:v13+s16+$0x0], $0xffff  }
0x182: {  	[tilespmem:s5+$0x20] =	vst v3;
	v56 =	vor.u32 v55, v10;
	v6 =	vld.idx.msk [tilespmem:v15+s16+$0x0], $0xffff  }
0x183: {  	v57 =	vor.u32 $0x80, v11;
	[tilespmem:s5+$0x40] =	vst v4;
	v58 =	vld.idx.msk [tilespmem:v2+s16+$0x0], $0xffff  }
0x184: {  	[tilespmem:s5+$0x10] =	vst v5;
	v59 =	vld.idx.msk [tilespmem:v1+s16+$0x0], $0xffff;
	v2 =	vor.u32 $0x80, v2  }
0x185: {  	v60 =	vld.idx.msk [tilespmem:v0+s16+$0x0], $0xffff;
	v1 =	vor.u32 $0x80, v1;
	[tilespmem:s0+$0xFFFFFFE0] =	vst v54  }
0x186: {  	v0 =	vor.u32 $0x80, v0;
	v61 =	vld.idx.msk [tilespmem:v8+s16+$0x0], $0xffff;
	[tilespmem:s0+$0x0] =	vst v13  }
0x187: {  	v8 =	vor.u32 $0x80, v8;
	[tilespmem:s0+$0x70] =	vst v6;
	v62 =	vld.idx.msk [tilespmem:v56+s16+$0x0], $0xffff  }
0x188: {  	v3 =	vor.u32 $0x80, v56;
	v7 =	vld.idx.msk [tilespmem:v57+s16+$0x0], $0xffff;
	[tilespmem:s0+$0xFFFFFFD0] =	vst v58  }
0x189: {  	[tilespmem:s0+$0xFFFFFFB0] =	vst v59;
	v2 =	vld.idx.msk [tilespmem:v2+s16+$0x0], $0xffff  }
0x18a: {  	[tilespmem:s0+$0xFFFFFFA0] =	vst v60;
	v1 =	vld.idx.msk [tilespmem:v1+s16+$0x0], $0xffff  }
0x18b: {  	v0 =	vld.idx.msk [tilespmem:v0+s16+$0x0], $0xffff;
	[tilespmem:s0+$0xFFFFFFC0] =	vst v61  }
0x18c: {  	v63 =	vld.idx.msk [tilespmem:v8+s16+$0x0], $0xffff;
	[tilespmem:s0+$0xFFFFFF90] =	vst v62  }
0x18d: {  	[tilespmem:s0+$0x60] =	vst v7;
	v3 =	vld.idx.msk [tilespmem:v3+s16+$0x0], $0xffff  }
0x18e: {  	s1 =	smul.u32 $0x1B0000, s1;
	[tilespmem:s0+$0x50] =	vst v2  }
0x18f: {  	s28 =	sadd.s32 $0x1, s28;
	[tilespmem:s0+$0x30] =	vst v1  }
0x190: {  	p0 =	sne.s32 s28, $0x10;
	s1 =	sadd.s32 s26, s1;
	[tilespmem:s0+$0x20] =	vst v0  }
.Ltmp5:
0x191: {  	s1 =	sshrl.u32 s1, $0x3;
	[tilespmem:s0+$0x40] =	vst v63;
	(pc) =	sbr.rel @p0 .LBB2_9-.Ltmp5, $4  }
0x192: {  	s31 =	sadd.s32 s4, s1;
	[tilespmem:s0+$0x10] =	vst v3  }
0x193: {  	[hbm4b:s31+s11] =	stream.strided.scatter [tilespmem:s19], [sflag:$0x4], $0x400, s12, s11, $0x38;
	[tilespmem:$0x1FC00] =	vst v63  }
0x194: {  	s29 =	sadd.s32 $0x800, s29;
	s30 =	sadd.s32 $0x800, s30;
	s0 =	sadd.s32 $0x1B000, s31  }
0x195: {  	[hbm4b:s0+s11] =	stream.strided.scatter [tilespmem:s20], [sflag:$0x4], $0x400, s12, s11, $0x38;
	[tilespmem:$0x1FC00] =	vst v63  }
0x196: {  	s25 =	sadd.s32 $0x1, s25  }
0x197: {  	p0 =	sne.s32 s25, $0xD  }
.Ltmp6:
0x198: {  	_ = 	snop;
	(pc) =	sbr.rel @p0 .LBB2_2-.Ltmp6, $1  }
0x199: {  	_ =	sdelay $0x3  }
0x19a: {  	_ =	swait.ge [sflag:s15], $0xB600  }
0x19b: {  	s25 =	simm.s32 $0x0;
	[sflag:s15] =	ssyncset.done $0x0  }
0x19c: {  	s26 =	simm.s32 $0x40;
	s28 =	simm.s32 $0x470;
	[sflag:s15] =	ssyncadd.s32 $0xFFFF4A00  }
.LBB2_16:
0x19d: {  	_ =	swait.ge [sflag:s22], $0x800  }
0x19e: {  	[sflag:s22] =	ssyncset.done $0x0  }
0x19f: {  	[sflag:s22] =	ssyncadd.s32 $0xFFFFF800  }
0x1a0: {  	v0 =	vld [tilespmem:s26+$0xFFFFFFC0]  }
0x1a1: {  	v1 =	vld [tilespmem:s26+$0x30];
	_ =	sdelay $0x3  }
0x1a2: {  	v4 =	vld [tilespmem:s26+$0x20];
	v2 =	vshll.u32 v0, $0x1  }
0x1a3: {  	v5 =	vld [tilespmem:s26+$0xFFFFFFE0];
	v3 =	vshll.u32 v1, $0x1;
	v0 =	vand.u32 $0x7F, v0;
	v2 =	vand.u32 $0xFFFFFF00, v2  }
0x1a4: {  	v1 =	vand.u32 $0x7F, v1;
	v3 =	vand.u32 $0xFFFFFF00, v3;
	v0 =	vor.u32 v0, v2  }
0x1a5: {  	v6 =	vld [tilespmem:s26+$0x0];
	v1 =	vor.u32 v1, v3  }
0x1a6: {  	v3 =	vld [tilespmem:s26+$0x10]  }
0x1a7: {  	v7 =	vshll.u32 v4, $0x1;
	v2 =	vld [tilespmem:s26+$0xFFFFFFF0]  }
0x1a8: {  	v8 =	vld [tilespmem:s26+$0xFFFFFFD0];
	v4 =	vand.u32 $0x7F, v4;
	v14 =	vshll.u32 v5, $0x1;
	v7 =	vand.u32 $0xFFFFFF00, v7  }
0x1a9: {  	v5 =	vand.u32 $0x7F, v5;
	v14 =	vand.u32 $0xFFFFFF00, v14;
	v4 =	vor.u32 v4, v7;
	v9 =	vld.idx.msk [tilespmem:v0+s13+$0x0], $0xffff  }
0x1aa: {  	s0 =	sadd.s32 $0x80, s26;
	v5 =	vor.u32 v5, v14;
	v10 =	vor.u32 $0x80, v0;
	v7 =	vld.idx.msk [tilespmem:v1+s13+$0x0], $0xffff  }
0x1ab: {  	v15 =	vld [tilespmem:s0+$0x30];
	v12 =	vor.u32 $0x80, v1;
	v11 =	vshll.u32 v3, $0x1;
	v3 =	vand.u32 $0x7F, v3  }
0x1ac: {  	v16 =	vld [tilespmem:s0+$0xFFFFFFC0];
	v13 =	vand.u32 $0x7F, v2;
	v2 =	vshll.u32 v2, $0x1;
	v11 =	vand.u32 $0xFFFFFF00, v11  }
0x1ad: {  	s2 =	simm.s32 $0x1EC80;
	v18 =	vld [tilespmem:s0+$0x20];
	v2 =	vand.u32 $0xFFFFFF00, v2;
	v3 =	vor.u32 v3, v11;
	v11 =	vshll.u32 v6, $0x1  }
0x1ae: {  	v6 =	vand.u32 $0x7F, v6;
	v13 =	vor.u32 v13, v2;
	v2 =	vand.u32 $0xFFFFFF00, v11;
	[tilespmem:s2+$0xFFFFFF80] =	vst v9;
	v9 =	vld.idx.msk [tilespmem:v4+s13+$0x0], $0xffff  }
0x1af: {  	v6 =	vor.u32 v6, v2;
	[tilespmem:s2+$0xFFFFFFF0] =	vst v7;
	v7 =	vshll.u32 v8, $0x1;
	v10 =	vld.idx.msk [tilespmem:v10+s13+$0x0], $0xffff  }
0x1b0: {  	v4 =	vor.u32 $0x80, v4;
	v8 =	vand.u32 $0x7F, v8;
	v11 =	vld.idx.msk [tilespmem:v12+s13+$0x0], $0xffff;
	v7 =	vand.u32 $0xFFFFFF00, v7  }
0x1b1: {  	v12 =	vld.idx.msk [tilespmem:v5+s13+$0x0], $0xffff;
	v7 =	vor.u32 v8, v7  }
0x1b2: {  	v8 =	vld.idx.msk [tilespmem:v3+s13+$0x0], $0xffff  }
0x1b3: {  	v14 =	vld.idx.msk [tilespmem:v13+s13+$0x0], $0xffff;
	v3 =	vor.u32 $0x80, v3  }
0x1b4: {  	v5 =	vor.u32 $0x80, v5;
	v17 =	vld.idx.msk [tilespmem:v6+s13+$0x0], $0xffff;
	[tilespmem:s2+$0xFFFFFFE0] =	vst v9  }
0x1b5: {  	v9 =	vor.u32 $0x80, v13;
	v13 =	vld.idx.msk [tilespmem:v4+s13+$0x0], $0xffff  }
0x1b6: {  	v6 =	vor.u32 $0x80, v6;
	[tilespmem:s2+$0x0] =	vst v10;
	v4 =	vld.idx.msk [tilespmem:v7+s13+$0x0], $0xffff  }
0x1b7: {  	v0 =	vld [tilespmem:s0+$0xFFFFFFE0];
	[tilespmem:s2+$0xFFFFFFD0] =	vst v8  }
0x1b8: {  	[tilespmem:s2+$0xFFFFFFA0] =	vst v12;
	v19 =	vld.idx.msk [tilespmem:v3+s13+$0x0], $0xffff  }
0x1b9: {  	[tilespmem:s2+$0x70] =	vst v11;
	v10 =	vshll.u32 v16, $0x1;
	v3 =	vld.idx.msk [tilespmem:v5+s13+$0x0], $0xffff;
	v5 =	vshll.u32 v15, $0x1  }
0x1ba: {  	v2 =	vld [tilespmem:s0+$0x10];
	v11 =	vand.u32 $0x7F, v15;
	v7 =	vor.u32 $0x80, v7;
	[tilespmem:s2+$0xFFFFFFC0] =	vst v17;
	v5 =	vand.u32 $0xFFFFFF00, v5  }
0x1bb: {  	v10 =	vand.u32 $0xFFFFFF00, v10;
	[tilespmem:s2+$0xFFFFFF90] =	vst v4;
	v4 =	vld.idx.msk [tilespmem:v6+s13+$0x0], $0xffff;
	v6 =	vor.u32 v11, v5;
	v11 =	vand.u32 $0x7F, v16  }
0x1bc: {  	[tilespmem:s2+$0xFFFFFFB0] =	vst v14;
	v8 =	vld [tilespmem:s0+$0x0];
	v10 =	vor.u32 v11, v10  }
0x1bd: {  	v9 =	vld.idx.msk [tilespmem:v9+s13+$0x0], $0xffff  }
0x1be: {  	v1 =	vld [tilespmem:s0+$0xFFFFFFF0]  }
0x1bf: {  	v12 =	vshll.u32 v18, $0x1;
	[tilespmem:s2+$0x60] =	vst v13;
	v5 =	vld.idx.msk [tilespmem:v7+s13+$0x0], $0xffff  }
0x1c0: {  	s5 =	simm.s32 $0x8;
	s1 =	simm.s32 $0x1EC80;
	v11 =	vand.u32 $0xFFFFFF00, v12;
	v7 =	vld [tilespmem:s0+$0xFFFFFFD0];
	v12 =	vand.u32 $0x7F, v18;
	[tilespmem:s2+$0x50] =	vst v19  }
.LBB2_17:
0x1c1: {  	s5 =	sadd.s32 $0x8, s5;
	v13 =	vld.idx.msk [tilespmem:v10+s13+$0x0], $0xffff;
	v10 =	vor.u32 $0x80, v10;
	v14 =	vshll.u32 v2, $0x1;
	v15 =	vor.u32 $0x80, v6;
	s2 =	sadd.s32 $0x100, s2  }
0x1c2: {  	v2 =	vand.u32 $0x7F, v2;
	v11 =	vor.u32 v12, v11;
	s0 =	sadd.s32 $0x80, s0;
	p0 =	slt.u32 s5, $0x38;
	v16 =	vand.u32 $0x7F, v8;
	v6 =	vld.idx.msk [tilespmem:v6+s13+$0x0], $0xffff;
	[tilespmem:s1+$0x30] =	vst v9  }
0x1c3: {  	v12 =	vand.u32 $0x7F, v1;
	v17 =	vshll.u32 v1, $0x1;
	v18 =	vor.u32 $0x80, v11;
	v9 =	vld [tilespmem:s0+$0xFFFFFFE0];
	[tilespmem:s1+$0x20] =	vst v3  }
0x1c4: {  	v17 =	vand.u32 $0xFFFFFF00, v17;
	v8 =	vshll.u32 v8, $0x1;
	v3 =	vshll.u32 v0, $0x1;
	v1 =	vld [tilespmem:s0+$0xFFFFFFF0];
	[tilespmem:s1+$0x40] =	vst v4  }
0x1c5: {  	v14 =	vand.u32 $0xFFFFFF00, v14;
	v3 =	vand.u32 $0xFFFFFF00, v3;
	v4 =	vld [tilespmem:s0+$0x30];
	v19 =	vand.u32 $0x7F, v7;
	[tilespmem:s1+$0x10] =	vst v5;
	s1 =	smov.u32 s2  }
0x1c6: {  	v20 =	vand.u32 $0x7F, v0;
	v12 =	vor.u32 v12, v17;
	v14 =	vor.u32 v2, v14;
	v5 =	vld [tilespmem:s0+$0xFFFFFFC0]  }
0x1c7: {  	v2 =	vshll.u32 v7, $0x1;
	v3 =	vor.u32 v20, v3;
	[tilespmem:s2+$0xFFFFFF80] =	vst v13;
	v13 =	vand.u32 $0xFFFFFF00, v8;
	v7 =	vld.idx.msk [tilespmem:v11+s13+$0x0], $0xffff  }
0x1c8: {  	v2 =	vand.u32 $0xFFFFFF00, v2;
	v8 =	vld.idx.msk [tilespmem:v10+s13+$0x0], $0xffff;
	v10 =	vor.u32 v16, v13;
	[tilespmem:s2+$0xFFFFFFF0] =	vst v6;
	v0 =	vmov v9  }
0x1c9: {  	v9 =	vor.u32 v19, v2;
	v11 =	vld.idx.msk [tilespmem:v15+s13+$0x0], $0xffff  }
0x1ca: {  	v2 =	vld [tilespmem:s0+$0x10];
	v6 =	vand.u32 $0x7F, v4;
	v4 =	vshll.u32 v4, $0x1  }
0x1cb: {  	v13 =	vshll.u32 v5, $0x1;
	v4 =	vand.u32 $0xFFFFFF00, v4;
	v15 =	vld.idx.msk [tilespmem:v14+s13+$0x0], $0xffff  }
0x1cc: {  	v13 =	vand.u32 $0xFFFFFF00, v13;
	v6 =	vor.u32 v6, v4;
	v4 =	vld.idx.msk [tilespmem:v3+s13+$0x0], $0xffff  }
0x1cd: {  	v14 =	vor.u32 $0x80, v14;
	v16 =	vld.idx.msk [tilespmem:v12+s13+$0x0], $0xffff;
	[tilespmem:s2+$0xFFFFFFE0] =	vst v7  }
0x1ce: {  	v3 =	vor.u32 $0x80, v3;
	[tilespmem:s2+$0x0] =	vst v8;
	v7 =	vld.idx.msk [tilespmem:v10+s13+$0x0], $0xffff  }
0x1cf: {  	v8 =	vor.u32 $0x80, v12;
	v12 =	vld.idx.msk [tilespmem:v18+s13+$0x0], $0xffff;
	[tilespmem:s2+$0x70] =	vst v11  }
0x1d0: {  	v11 =	vld.idx.msk [tilespmem:v9+s13+$0x0], $0xffff  }
0x1d1: {  	v19 =	vor.u32 $0x80, v10;
	v18 =	vor.u32 $0x80, v9;
	v17 =	vld [tilespmem:s0+$0x20];
	[tilespmem:s2+$0xFFFFFFD0] =	vst v15  }
0x1d2: {  	[tilespmem:s2+$0xFFFFFFA0] =	vst v4;
	v14 =	vld.idx.msk [tilespmem:v14+s13+$0x0], $0xffff  }
0x1d3: {  	v4 =	vand.u32 $0x7F, v5;
	v3 =	vld.idx.msk [tilespmem:v3+s13+$0x0], $0xffff;
	[tilespmem:s2+$0xFFFFFFB0] =	vst v16  }
.Ltmp7:
0x1d4: {  	v10 =	vor.u32 v4, v13;
	v9 =	vld.idx.msk [tilespmem:v8+s13+$0x0], $0xffff;
	[tilespmem:s2+$0xFFFFFFC0] =	vst v7;
	(pc) =	sbr.rel @p0 .LBB2_17-.Ltmp7, $4  }
0x1d5: {  	v8 =	vld [tilespmem:s0+$0x0];
	[tilespmem:s2+$0x60] =	vst v12  }
0x1d6: {  	v5 =	vshll.u32 v17, $0x1;
	[tilespmem:s2+$0xFFFFFF90] =	vst v11;
	v4 =	vld.idx.msk [tilespmem:v19+s13+$0x0], $0xffff  }
0x1d7: {  	v11 =	vand.u32 $0xFFFFFF00, v5;
	v5 =	vld.idx.msk [tilespmem:v18+s13+$0x0], $0xffff  }
0x1d8: {  	v12 =	vand.u32 $0x7F, v17;
	v7 =	vld [tilespmem:s0+$0xFFFFFFD0];
	[tilespmem:s2+$0x50] =	vst v14  }
0x1d9: {  	_ =	sdelay $0x2  }
0x1da: {  	v13 =	vor.u32 $0x80, v10  }
0x1db: {  	v10 =	vld.idx.msk [tilespmem:v10+s13+$0x0], $0xffff;
	v14 =	vshll.u32 v2, $0x1;
	v15 =	vor.u32 $0x80, v6;
	v11 =	vor.u32 v12, v11  }
0x1dc: {  	v2 =	vand.u32 $0x7F, v2;
	v6 =	vld.idx.msk [tilespmem:v6+s13+$0x0], $0xffff;
	v16 =	vand.u32 $0x7F, v1;
	v1 =	vshll.u32 v1, $0x1  }
0x1dd: {  	v17 =	vshll.u32 v0, $0x1;
	v0 =	vand.u32 $0x7F, v0;
	v14 =	vand.u32 $0xFFFFFF00, v14  }
0x1de: {  	v12 =	vand.u32 $0x7F, v8;
	v1 =	vand.u32 $0xFFFFFF00, v1;
	v2 =	vor.u32 v2, v14  }
0x1df: {  	s0 =	sadd.s32 $0x100, s2;
	[tilespmem:s1+$0x30] =	vst v9;
	v8 =	vshll.u32 v8, $0x1;
	v9 =	vand.u32 $0xFFFFFF00, v17;
	v1 =	vor.u32 v16, v1  }
0x1e0: {  	v0 =	vor.u32 v0, v9;
	v8 =	vand.u32 $0xFFFFFF00, v8;
	[tilespmem:s0+$0xFFFFFF80] =	vst v10;
	v10 =	vshll.u32 v7, $0x1;
	v9 =	vld.idx.msk [tilespmem:v11+s13+$0x0], $0xffff  }
0x1e1: {  	v8 =	vor.u32 v12, v8;
	v7 =	vand.u32 $0x7F, v7;
	[tilespmem:s0+$0xFFFFFFF0] =	vst v6;
	v13 =	vld.idx.msk [tilespmem:v13+s13+$0x0], $0xffff;
	v10 =	vand.u32 $0xFFFFFF00, v10  }
0x1e2: {  	[tilespmem:s1+$0x20] =	vst v3;
	v6 =	vld.idx.msk [tilespmem:v15+s13+$0x0], $0xffff;
	v3 =	vor.u32 v7, v10  }
0x1e3: {  	[tilespmem:s1+$0x40] =	vst v4;
	v7 =	vor.u32 $0x80, v11;
	v4 =	vld.idx.msk [tilespmem:v2+s13+$0x0], $0xffff  }
0x1e4: {  	[tilespmem:s1+$0x10] =	vst v5;
	v5 =	vld.idx.msk [tilespmem:v1+s13+$0x0], $0xffff;
	v2 =	vor.u32 $0x80, v2  }
0x1e5: {  	v10 =	vld.idx.msk [tilespmem:v0+s13+$0x0], $0xffff;
	v1 =	vor.u32 $0x80, v1;
	[tilespmem:s0+$0xFFFFFFE0] =	vst v9  }
0x1e6: {  	v0 =	vor.u32 $0x80, v0;
	v9 =	vld.idx.msk [tilespmem:v8+s13+$0x0], $0xffff;
	[tilespmem:s0+$0x0] =	vst v13  }
0x1e7: {  	v8 =	vor.u32 $0x80, v8;
	[tilespmem:s0+$0x70] =	vst v6;
	v6 =	vld.idx.msk [tilespmem:v3+s13+$0x0], $0xffff  }
0x1e8: {  	v7 =	vld.idx.msk [tilespmem:v7+s13+$0x0], $0xffff;
	v3 =	vor.u32 $0x80, v3;
	[tilespmem:s0+$0xFFFFFFD0] =	vst v4  }
0x1e9: {  	[tilespmem:s0+$0xFFFFFFB0] =	vst v5;
	v2 =	vld.idx.msk [tilespmem:v2+s13+$0x0], $0xffff  }
0x1ea: {  	[tilespmem:s0+$0xFFFFFFA0] =	vst v10;
	v1 =	vld.idx.msk [tilespmem:v1+s13+$0x0], $0xffff  }
0x1eb: {  	v0 =	vld.idx.msk [tilespmem:v0+s13+$0x0], $0xffff;
	[tilespmem:s0+$0xFFFFFFC0] =	vst v9  }
0x1ec: {  	v4 =	vld.idx.msk [tilespmem:v8+s13+$0x0], $0xffff;
	[tilespmem:s0+$0xFFFFFF90] =	vst v6  }
0x1ed: {  	[tilespmem:s0+$0x60] =	vst v7;
	v3 =	vld.idx.msk [tilespmem:v3+s13+$0x0], $0xffff  }
0x1ee: {  	s30 =	smul.u32 $0x360000, s25;
	[tilespmem:s0+$0x50] =	vst v2  }
0x1ef: {  	[tilespmem:s0+$0x30] =	vst v1  }
0x1f0: {  	s1 =	sadd.s32 s9, s30;
	[tilespmem:s0+$0x20] =	vst v0  }
0x1f1: {  	s1 =	sshrl.u32 s1, $0x3;
	[tilespmem:s0+$0x40] =	vst v4  }
0x1f2: {  	s31 =	sadd.s32 s4, s1;
	[tilespmem:s0+$0x10] =	vst v3  }
0x1f3: {  	[hbm4b:s31+s11] =	stream.strided.scatter [tilespmem:s17], [sflag:$0x3], $0x400, s12, s11, $0x38;
	[tilespmem:$0x1FC00] =	vst v63  }
0x1f4: {  	s0 =	sadd.s32 $0x1B000, s31  }
0x1f5: {  	[hbm4b:s0+s11] =	stream.strided.scatter [tilespmem:s18], [sflag:$0x3], $0x400, s12, s11, $0x38;
	[tilespmem:$0x1FC00] =	vst v63  }
0x1f6: {  	_ =	swait.ge [sflag:s23], $0x800  }
0x1f7: {  	[sflag:s23] =	ssyncset.done $0x0  }
0x1f8: {  	[sflag:s23] =	ssyncadd.s32 $0xFFFFF800  }
0x1f9: {  	v0 =	vld [tilespmem:s28+$0xFFFFFF90]  }
0x1fa: {  	v1 =	vld [tilespmem:s28+$0x0];
	_ =	sdelay $0x3  }
0x1fb: {  	v4 =	vld [tilespmem:s28+$0xFFFFFFF0];
	v2 =	vshll.u32 v0, $0x1  }
0x1fc: {  	v5 =	vld [tilespmem:s28+$0xFFFFFFB0];
	v3 =	vshll.u32 v1, $0x1;
	v0 =	vand.u32 $0x7F, v0;
	v2 =	vand.u32 $0xFFFFFF00, v2  }
0x1fd: {  	v1 =	vand.u32 $0x7F, v1;
	v3 =	vand.u32 $0xFFFFFF00, v3;
	v0 =	vor.u32 v0, v2  }
0x1fe: {  	v6 =	vld [tilespmem:s28+$0xFFFFFFD0];
	v1 =	vor.u32 v1, v3  }
0x1ff: {  	v3 =	vld [tilespmem:s28+$0xFFFFFFE0]  }
0x200: {  	v7 =	vshll.u32 v4, $0x1;
	v2 =	vld [tilespmem:s28+$0xFFFFFFC0]  }
0x201: {  	v8 =	vld [tilespmem:s28+$0xFFFFFFA0];
	v4 =	vand.u32 $0x7F, v4;
	v14 =	vshll.u32 v5, $0x1;
	v7 =	vand.u32 $0xFFFFFF00, v7  }
0x202: {  	v5 =	vand.u32 $0x7F, v5;
	v14 =	vand.u32 $0xFFFFFF00, v14;
	v4 =	vor.u32 v4, v7;
	v9 =	vld.idx.msk [tilespmem:v0+s13+$0x0], $0xffff  }
0x203: {  	s0 =	sadd.s32 $0x80, s28;
	v5 =	vor.u32 v5, v14;
	v10 =	vor.u32 $0x80, v0;
	v7 =	vld.idx.msk [tilespmem:v1+s13+$0x0], $0xffff  }
0x204: {  	v15 =	vld [tilespmem:s0+$0x0];
	v12 =	vor.u32 $0x80, v1;
	v11 =	vshll.u32 v3, $0x1;
	v3 =	vand.u32 $0x7F, v3  }
0x205: {  	v62 =	vld [tilespmem:s0+$0xFFFFFF90];
	v13 =	vand.u32 $0x7F, v2;
	v2 =	vshll.u32 v2, $0x1;
	v11 =	vand.u32 $0xFFFFFF00, v11  }
0x206: {  	s2 =	simm.s32 $0x1F480;
	v18 =	vld [tilespmem:s0+$0xFFFFFFF0];
	v2 =	vand.u32 $0xFFFFFF00, v2;
	v3 =	vor.u32 v3, v11;
	v11 =	vshll.u32 v6, $0x1  }
0x207: {  	v6 =	vand.u32 $0x7F, v6;
	v13 =	vor.u32 v13, v2;
	v2 =	vand.u32 $0xFFFFFF00, v11;
	[tilespmem:s2+$0xFFFFFF80] =	vst v9;
	v9 =	vld.idx.msk [tilespmem:v4+s13+$0x0], $0xffff  }
0x208: {  	v6 =	vor.u32 v6, v2;
	[tilespmem:s2+$0xFFFFFFF0] =	vst v7;
	v7 =	vshll.u32 v8, $0x1;
	v10 =	vld.idx.msk [tilespmem:v10+s13+$0x0], $0xffff  }
0x209: {  	v4 =	vor.u32 $0x80, v4;
	v8 =	vand.u32 $0x7F, v8;
	v11 =	vld.idx.msk [tilespmem:v12+s13+$0x0], $0xffff;
	v7 =	vand.u32 $0xFFFFFF00, v7  }
0x20a: {  	v12 =	vld.idx.msk [tilespmem:v5+s13+$0x0], $0xffff;
	v7 =	vor.u32 v8, v7  }
0x20b: {  	v8 =	vld.idx.msk [tilespmem:v3+s13+$0x0], $0xffff  }
0x20c: {  	v14 =	vld.idx.msk [tilespmem:v13+s13+$0x0], $0xffff;
	v3 =	vor.u32 $0x80, v3  }
0x20d: {  	v5 =	vor.u32 $0x80, v5;
	v63 =	vld.idx.msk [tilespmem:v6+s13+$0x0], $0xffff;
	[tilespmem:s2+$0xFFFFFFE0] =	vst v9  }
0x20e: {  	v9 =	vor.u32 $0x80, v13;
	v13 =	vld.idx.msk [tilespmem:v4+s13+$0x0], $0xffff  }
0x20f: {  	v6 =	vor.u32 $0x80, v6;
	[tilespmem:s2+$0x0] =	vst v10;
	v4 =	vld.idx.msk [tilespmem:v7+s13+$0x0], $0xffff  }
0x210: {  	v0 =	vld [tilespmem:s0+$0xFFFFFFB0];
	[tilespmem:s2+$0xFFFFFFD0] =	vst v8  }
0x211: {  	[tilespmem:s2+$0xFFFFFFA0] =	vst v12;
	v19 =	vld.idx.msk [tilespmem:v3+s13+$0x0], $0xffff  }
0x212: {  	[tilespmem:s2+$0x70] =	vst v11;
	v10 =	vshll.u32 v62, $0x1;
	v3 =	vld.idx.msk [tilespmem:v5+s13+$0x0], $0xffff;
	v5 =	vshll.u32 v15, $0x1  }
0x213: {  	v2 =	vld [tilespmem:s0+$0xFFFFFFE0];
	v11 =	vand.u32 $0x7F, v15;
	v7 =	vor.u32 $0x80, v7;
	[tilespmem:s2+$0xFFFFFFC0] =	vst v63;
	v5 =	vand.u32 $0xFFFFFF00, v5  }
0x214: {  	v10 =	vand.u32 $0xFFFFFF00, v10;
	[tilespmem:s2+$0xFFFFFF90] =	vst v4;
	v4 =	vld.idx.msk [tilespmem:v6+s13+$0x0], $0xffff;
	v6 =	vor.u32 v11, v5;
	v11 =	vand.u32 $0x7F, v62  }
0x215: {  	[tilespmem:s2+$0xFFFFFFB0] =	vst v14;
	v8 =	vld [tilespmem:s0+$0xFFFFFFD0];
	v10 =	vor.u32 v11, v10  }
0x216: {  	v9 =	vld.idx.msk [tilespmem:v9+s13+$0x0], $0xffff  }
0x217: {  	v1 =	vld [tilespmem:s0+$0xFFFFFFC0]  }
0x218: {  	v12 =	vshll.u32 v18, $0x1;
	[tilespmem:s2+$0x60] =	vst v13;
	v5 =	vld.idx.msk [tilespmem:v7+s13+$0x0], $0xffff  }
0x219: {  	s7 =	simm.s32 $0x8;
	s5 =	simm.s32 $0x1F480;
	s1 =	sshllo.u32 s25, $0x1;
	v11 =	vand.u32 $0xFFFFFF00, v12;
	v7 =	vld [tilespmem:s0+$0xFFFFFFA0];
	v12 =	vand.u32 $0x7F, v18;
	[tilespmem:s2+$0x50] =	vst v19  }
.LBB2_19:
0x21a: {  	s7 =	sadd.s32 $0x8, s7;
	v13 =	vld.idx.msk [tilespmem:v10+s13+$0x0], $0xffff;
	v10 =	vor.u32 $0x80, v10;
	v14 =	vshll.u32 v2, $0x1;
	v15 =	vor.u32 $0x80, v6;
	s2 =	sadd.s32 $0x100, s2  }
0x21b: {  	v2 =	vand.u32 $0x7F, v2;
	v11 =	vor.u32 v12, v11;
	s0 =	sadd.s32 $0x80, s0;
	p0 =	slt.u32 s7, $0x38;
	v16 =	vand.u32 $0x7F, v8;
	v6 =	vld.idx.msk [tilespmem:v6+s13+$0x0], $0xffff;
	[tilespmem:s5+$0x30] =	vst v9  }
0x21c: {  	v12 =	vand.u32 $0x7F, v1;
	v17 =	vshll.u32 v1, $0x1;
	v18 =	vor.u32 $0x80, v11;
	v9 =	vld [tilespmem:s0+$0xFFFFFFB0];
	[tilespmem:s5+$0x20] =	vst v3  }
0x21d: {  	v17 =	vand.u32 $0xFFFFFF00, v17;
	v8 =	vshll.u32 v8, $0x1;
	v3 =	vshll.u32 v0, $0x1;
	v1 =	vld [tilespmem:s0+$0xFFFFFFC0];
	[tilespmem:s5+$0x40] =	vst v4  }
0x21e: {  	v14 =	vand.u32 $0xFFFFFF00, v14;
	v3 =	vand.u32 $0xFFFFFF00, v3;
	v4 =	vld [tilespmem:s0+$0x0];
	v19 =	vand.u32 $0x7F, v7;
	[tilespmem:s5+$0x10] =	vst v5;
	s5 =	smov.u32 s2  }
0x21f: {  	v20 =	vand.u32 $0x7F, v0;
	v12 =	vor.u32 v12, v17;
	v14 =	vor.u32 v2, v14;
	v5 =	vld [tilespmem:s0+$0xFFFFFF90]  }
0x220: {  	v2 =	vshll.u32 v7, $0x1;
	v3 =	vor.u32 v20, v3;
	[tilespmem:s2+$0xFFFFFF80] =	vst v13;
	v13 =	vand.u32 $0xFFFFFF00, v8;
	v7 =	vld.idx.msk [tilespmem:v11+s13+$0x0], $0xffff  }
0x221: {  	v2 =	vand.u32 $0xFFFFFF00, v2;
	v8 =	vld.idx.msk [tilespmem:v10+s13+$0x0], $0xffff;
	v10 =	vor.u32 v16, v13;
	[tilespmem:s2+$0xFFFFFFF0] =	vst v6;
	v0 =	vmov v9  }
0x222: {  	v9 =	vor.u32 v19, v2;
	v11 =	vld.idx.msk [tilespmem:v15+s13+$0x0], $0xffff  }
0x223: {  	v2 =	vld [tilespmem:s0+$0xFFFFFFE0];
	v6 =	vand.u32 $0x7F, v4;
	v4 =	vshll.u32 v4, $0x1  }
0x224: {  	v13 =	vshll.u32 v5, $0x1;
	v4 =	vand.u32 $0xFFFFFF00, v4;
	v15 =	vld.idx.msk [tilespmem:v14+s13+$0x0], $0xffff  }
0x225: {  	v13 =	vand.u32 $0xFFFFFF00, v13;
	v6 =	vor.u32 v6, v4;
	v4 =	vld.idx.msk [tilespmem:v3+s13+$0x0], $0xffff  }
0x226: {  	v14 =	vor.u32 $0x80, v14;
	v16 =	vld.idx.msk [tilespmem:v12+s13+$0x0], $0xffff;
	[tilespmem:s2+$0xFFFFFFE0] =	vst v7  }
0x227: {  	v3 =	vor.u32 $0x80, v3;
	[tilespmem:s2+$0x0] =	vst v8;
	v7 =	vld.idx.msk [tilespmem:v10+s13+$0x0], $0xffff  }
0x228: {  	v8 =	vor.u32 $0x80, v12;
	v12 =	vld.idx.msk [tilespmem:v18+s13+$0x0], $0xffff;
	[tilespmem:s2+$0x70] =	vst v11  }
0x229: {  	v11 =	vld.idx.msk [tilespmem:v9+s13+$0x0], $0xffff  }
0x22a: {  	v19 =	vor.u32 $0x80, v10;
	v18 =	vor.u32 $0x80, v9;
	v17 =	vld [tilespmem:s0+$0xFFFFFFF0];
	[tilespmem:s2+$0xFFFFFFD0] =	vst v15  }
0x22b: {  	[tilespmem:s2+$0xFFFFFFA0] =	vst v4;
	v14 =	vld.idx.msk [tilespmem:v14+s13+$0x0], $0xffff  }
0x22c: {  	v4 =	vand.u32 $0x7F, v5;
	v3 =	vld.idx.msk [tilespmem:v3+s13+$0x0], $0xffff;
	[tilespmem:s2+$0xFFFFFFB0] =	vst v16  }
.Ltmp8:
0x22d: {  	v10 =	vor.u32 v4, v13;
	v9 =	vld.idx.msk [tilespmem:v8+s13+$0x0], $0xffff;
	[tilespmem:s2+$0xFFFFFFC0] =	vst v7;
	(pc) =	sbr.rel @p0 .LBB2_19-.Ltmp8, $4  }
0x22e: {  	v8 =	vld [tilespmem:s0+$0xFFFFFFD0];
	[tilespmem:s2+$0x60] =	vst v12  }
0x22f: {  	v5 =	vshll.u32 v17, $0x1;
	[tilespmem:s2+$0xFFFFFF90] =	vst v11;
	v4 =	vld.idx.msk [tilespmem:v19+s13+$0x0], $0xffff  }
0x230: {  	v11 =	vand.u32 $0xFFFFFF00, v5;
	v5 =	vld.idx.msk [tilespmem:v18+s13+$0x0], $0xffff  }
0x231: {  	v12 =	vand.u32 $0x7F, v17;
	v7 =	vld [tilespmem:s0+$0xFFFFFFA0];
	[tilespmem:s2+$0x50] =	vst v14  }
0x232: {  	_ =	sdelay $0x2  }
0x233: {  	v13 =	vor.u32 $0x80, v10  }
0x234: {  	v44 =	vld.idx.msk [tilespmem:v10+s13+$0x0], $0xffff;
	v14 =	vshll.u32 v2, $0x1;
	v15 =	vor.u32 $0x80, v6;
	v11 =	vor.u32 v12, v11  }
0x235: {  	v46 =	vand.u32 $0x7F, v2;
	v47 =	vld.idx.msk [tilespmem:v6+s13+$0x0], $0xffff;
	v16 =	vand.u32 $0x7F, v1;
	v48 =	vshll.u32 v1, $0x1  }
0x236: {  	v49 =	vshll.u32 v0, $0x1;
	v52 =	vand.u32 $0x7F, v0;
	v14 =	vand.u32 $0xFFFFFF00, v14  }
0x237: {  	v45 =	vand.u32 $0x7F, v8;
	v1 =	vand.u32 $0xFFFFFF00, v48;
	v2 =	vor.u32 v46, v14  }
0x238: {  	s0 =	sadd.s32 $0x100, s2;
	[tilespmem:s5+$0x30] =	vst v9;
	v50 =	vshll.u32 v8, $0x1;
	v51 =	vand.u32 $0xFFFFFF00, v49;
	v1 =	vor.u32 v16, v1  }
0x239: {  	v0 =	vor.u32 v52, v51;
	v8 =	vand.u32 $0xFFFFFF00, v50;
	v53 =	vshll.u32 v7, $0x1;
	[tilespmem:s0+$0xFFFFFF80] =	vst v44;
	v54 =	vld.idx.msk [tilespmem:v11+s13+$0x0], $0xffff  }
0x23a: {  	v8 =	vor.u32 v45, v8;
	v55 =	vand.u32 $0x7F, v7;
	v10 =	vand.u32 $0xFFFFFF00, v53;
	[tilespmem:s0+$0xFFFFFFF0] =	vst v47;
	v13 =	vld.idx.msk [tilespmem:v13+s13+$0x0], $0xffff  }
0x23b: {  	[tilespmem:s5+$0x20] =	vst v3;
	v56 =	vor.u32 v55, v10;
	v6 =	vld.idx.msk [tilespmem:v15+s13+$0x0], $0xffff  }
0x23c: {  	v57 =	vor.u32 $0x80, v11;
	[tilespmem:s5+$0x40] =	vst v4;
	v58 =	vld.idx.msk [tilespmem:v2+s13+$0x0], $0xffff  }
0x23d: {  	[tilespmem:s5+$0x10] =	vst v5;
	v59 =	vld.idx.msk [tilespmem:v1+s13+$0x0], $0xffff;
	v2 =	vor.u32 $0x80, v2  }
0x23e: {  	v60 =	vld.idx.msk [tilespmem:v0+s13+$0x0], $0xffff;
	v1 =	vor.u32 $0x80, v1;
	[tilespmem:s0+$0xFFFFFFE0] =	vst v54  }
0x23f: {  	v0 =	vor.u32 $0x80, v0;
	v61 =	vld.idx.msk [tilespmem:v8+s13+$0x0], $0xffff;
	[tilespmem:s0+$0x0] =	vst v13  }
0x240: {  	v8 =	vor.u32 $0x80, v8;
	[tilespmem:s0+$0x70] =	vst v6;
	v62 =	vld.idx.msk [tilespmem:v56+s13+$0x0], $0xffff  }
0x241: {  	v3 =	vor.u32 $0x80, v56;
	v7 =	vld.idx.msk [tilespmem:v57+s13+$0x0], $0xffff;
	[tilespmem:s0+$0xFFFFFFD0] =	vst v58  }
0x242: {  	[tilespmem:s0+$0xFFFFFFB0] =	vst v59;
	v2 =	vld.idx.msk [tilespmem:v2+s13+$0x0], $0xffff  }
0x243: {  	[tilespmem:s0+$0xFFFFFFA0] =	vst v60;
	v1 =	vld.idx.msk [tilespmem:v1+s13+$0x0], $0xffff  }
0x244: {  	v0 =	vld.idx.msk [tilespmem:v0+s13+$0x0], $0xffff;
	[tilespmem:s0+$0xFFFFFFC0] =	vst v61  }
0x245: {  	v63 =	vld.idx.msk [tilespmem:v8+s13+$0x0], $0xffff;
	[tilespmem:s0+$0xFFFFFF90] =	vst v62  }
0x246: {  	[tilespmem:s0+$0x60] =	vst v7;
	v3 =	vld.idx.msk [tilespmem:v3+s13+$0x0], $0xffff  }
0x247: {  	s1 =	smul.u32 $0x1B0000, s1;
	[tilespmem:s0+$0x50] =	vst v2  }
0x248: {  	s25 =	sadd.s32 $0x1, s25;
	[tilespmem:s0+$0x30] =	vst v1  }
0x249: {  	p0 =	sne.s32 s25, $0x10;
	s1 =	sadd.s32 s9, s1;
	[tilespmem:s0+$0x20] =	vst v0  }
.Ltmp9:
0x24a: {  	s1 =	sshrl.u32 s1, $0x3;
	[tilespmem:s0+$0x40] =	vst v63;
	(pc) =	sbr.rel @p0 .LBB2_16-.Ltmp9, $4  }
0x24b: {  	s31 =	sadd.s32 s4, s1;
	[tilespmem:s0+$0x10] =	vst v3  }
0x24c: {  	[hbm4b:s31+s11] =	stream.strided.scatter [tilespmem:s19], [sflag:$0x4], $0x400, s12, s11, $0x38;
	[tilespmem:$0x1FC00] =	vst v63  }
0x24d: {  	s26 =	sadd.s32 $0x800, s26;
	s28 =	sadd.s32 $0x800, s28;
	s0 =	sadd.s32 $0x1B000, s31  }
0x24e: {  	[hbm4b:s0+s11] =	stream.strided.scatter [tilespmem:s20], [sflag:$0x4], $0x400, s12, s11, $0x38;
	[tilespmem:$0x1FC00] =	vst v63  }
0x24f: {  	s24 =	sadd.s32 $0x1, s24  }
0x250: {  	_ =	swait.ge [sflag:s22], $0x800;
	p0 =	sne.s32 s24, s10  }
.Ltmp10:
0x251: {  	[sflag:s22] =	ssyncset.done $0x0;
	(pc) =	sbr.rel @p0 .LBB2_1-.Ltmp10, $4  }
0x252: {  	[sflag:s22] =	ssyncadd.s32 $0xFFFFF800  }
0x253: {  	_ =	swait.ge [sflag:s23], $0x800  }
0x254: {  	[sflag:s23] =	ssyncset.done $0x0  }
0x255: {  	[sflag:s23] =	ssyncadd.s32 $0xFFFFF800  }
0x256: {  	_ =	sfence.sel $0x180000  }
0x257: {  	[bflag:$0x0] =	sbarrier.arrive $0xFFFF  }
0x258: {  	_ =	strace $0x90000047  }
0x259: {  	s0 =	stileid.u32;
	[bflag:$0x2] =	sbarrier.arrive $0xFFFF  }
0x25a: {  	p0 =	sne.s32 s0, $0x0;
	s0 =	rddreg [dreg:$0x3]  }
0x25b: {  	s0 =	sadd.s32 @!p0 $0x100000, s0  }
0x25c: {  	[sflag:s0] =	ssyncadd.tile.s32 @!p0 $0x1;
	_ =	shalt  }
.Lfunc_end2:
_tile_overlayer_lowered:
.L_overlay_start_2:
0x25d: {  	(tag) =	ssettag $0x2  }
0x25e: {  	s0 =	rddreg [dreg:$0x0];
	s2 =	stileid.u32  }
0x25f: {  	s1 =	rddreg [dreg:$0x1];
	p0 =	sne.s32 s2, $0x0  }
0x260: {  	s3 =	rddreg [dreg:$0x2];
	[bflag:$0x3] =	sbarrier.arrive $0xFFFF;
	s2 =	simm.s32 @!p0 $0x1C05  }
0x261: {  	[timem:s3], [sflag:s2] =	dma.local @!p0 [hbm:s0], s1  }
0x262: {  	s0 =	simm.s32 @!p0 $0x5  }
0x263: {  	_ =	swait.ge @!p0 [sflag:s0], s1  }
0x264: {  	s1 =	ssub.s32 @!p0 $0x0, s1;
	[sflag:s0] =	ssyncset.done @!p0 $0x0  }
0x265: {  	[sflag:s0] =	ssyncadd.s32 @!p0 s1  }
0x266: {  	[bflag:$0x3] =	sbarrier.arrive $0xFFFF  }
0x267: {  	_ =	shalt  }

</sc_bundles>
